<compile_context>
chip_gen: v7x
topology: tpu7x:2x2x1
jax: 0.10.2.dev20260603
libtpu: 0.0.44.dev20260713+nightly
codegen_flags: <defaults>
</compile_context>

<pallas_src>
import functools

import jax
import jax.numpy as jnp
from jax import lax
from jax.experimental import pallas as pl
from jax.experimental.pallas import tpu as pltpu
from jax.experimental.pallas import tpu_sc as plsc

ANCHORS_NUM = 9
NMS_OUT = 300
IOU_THR = 0.7

N_PIX = 2304
C_IN = 512
N_BOX = N_PIX * ANCHORS_NUM
ROWS = 162
LANES = 128
NEG_INF = float("-inf")

NW = 16
PER_W = N_BOX // NW
CH = PER_W // 16
KEEP_PAD = 304
BIG = 2**30


def _head_body(flat_ref, wc_ref, bc_ref, wb_ref, bb_ref, prob_ref, bbox_ref):
    flat = flat_ref[...]
    cls = jnp.dot(flat, wc_ref[...], preferred_element_type=jnp.float32) + bc_ref[...]
    left = jnp.concatenate([cls[:, 1:], cls[:, :1]], axis=1)
    right = jnp.concatenate([cls[:, -1:], cls[:, :-1]], axis=1)
    col = jax.lax.broadcasted_iota(jnp.int32, cls.shape, 1)
    partner = jnp.where(col % 2 == 0, left, right)
    m = jnp.maximum(cls, partner)
    e = jnp.exp(cls - m)
    ep = jnp.exp(partner - m)
    prob_ref[...] = e / (e + ep)
    bbox_ref[...] = (
        jnp.dot(flat, wb_ref[...], preferred_element_type=jnp.float32) + bb_ref[...]
    )


def _decode_body(anc_ref, t_ref, img_ref, x0_ref, y0_ref, x1_ref, y1_ref):
    a0 = anc_ref[0]
    a1 = anc_ref[1]
    a2 = anc_ref[2]
    a3 = anc_ref[3]
    t0 = t_ref[0]
    t1 = t_ref[1]
    t3 = t_ref[2]
    w = a3 - a1 + 1.0
    h = a2 - a0 + 1.0
    x = a0 + 0.5 * h
    y = a1 + 0.5 * w
    x_pred = t0 * h + x
    y_pred = t1 * w + y
    h_pred = jnp.exp(t3) * h
    x0 = x_pred - 0.5 * h_pred
    x1 = x_pred + 0.5 * h_pred
    y0 = y_pred - 0.5 * y_pred
    y1 = y_pred + 0.5 * y_pred
    x0_ref[...] = jnp.maximum(x0, 0.0)
    x1_ref[...] = jnp.minimum(x1, img_ref[0])
    y0_ref[...] = jnp.maximum(y0, 0.0)
    y1_ref[...] = jnp.minimum(y1, img_ref[1])


def _bfly_max(v, li):
    for sh in (1, 2, 4, 8):
        v = jnp.maximum(v, v.at[li ^ sh].get(mode="promise_in_bounds"))
    return v


def _bfly_min(v, li):
    for sh in (1, 2, 4, 8):
        v = jnp.minimum(v, v.at[li ^ sh].get(mode="promise_in_bounds"))
    return v


def _nms_sc_body(planes_h, out_h,
                 x0_v, y0_v, x1_v, y1_v, ar_v, s_v,
                 stage_v, merge_v, keep_v, pub_sh):
    wid = lax.axis_index("s")
    base = wid * PER_W
    li = lax.iota(jnp.int32, 16)
    minf = jnp.full((16,), NEG_INF, jnp.float32)
    bigv = jnp.full((16,), BIG, jnp.int32)

    pltpu.sync_copy(planes_h.at[pl.ds(0 * N_BOX + base, PER_W)], x0_v)
    pltpu.sync_copy(planes_h.at[pl.ds(1 * N_BOX + base, PER_W)], y0_v)
    pltpu.sync_copy(planes_h.at[pl.ds(2 * N_BOX + base, PER_W)], x1_v)
    pltpu.sync_copy(planes_h.at[pl.ds(3 * N_BOX + base, PER_W)], y1_v)
    pltpu.sync_copy(planes_h.at[pl.ds(4 * N_BOX + base, PER_W)], s_v)

    @pl.when(wid == 0)
    def _():
        keep_v[pl.ds(KEEP_PAD - 16, 16)] = jnp.full((16,), -1, jnp.int32)

    def prime(j, carry):
        macc, iacc = carry
        sl = pl.ds(j * 16, 16)
        x0c = x0_v[sl]
        y0c = y0_v[sl]
        x1c = x1_v[sl]
        y1c = y1_v[sl]
        ar_v[sl] = jnp.maximum(x1c - x0c, 0.0) * jnp.maximum(y1c - y0c, 0.0)
        sc = s_v[sl]
        lin = base + j * 16 + li
        upd = sc > macc
        return jnp.where(upd, sc, macc), jnp.where(upd, lin, iacc)

    macc0, iacc0 = lax.fori_loop(0, CH, prime, (minf, bigv))

    def iter_body(i, carry):
        macc, iacc = carry
        m_loc = _bfly_max(macc, li)
        i_loc = _bfly_min(jnp.where(macc == m_loc, iacc, BIG), li)
        pv = jnp.clip(i_loc - base, 0, PER_W - 1)
        gx0 = plsc.load_gather(x0_v, [pv])
        gy0 = plsc.load_gather(y0_v, [pv])
        gx1 = plsc.load_gather(x1_v, [pv])
        gy1 = plsc.load_gather(y1_v, [pv])
        idxf = plsc.bitcast(i_loc, jnp.float32)
        v = jnp.where(li == 1, idxf, m_loc)
        v = jnp.where(li == 2, gx0, v)
        v = jnp.where(li == 3, gy0, v)
        v = jnp.where(li == 4, gx1, v)
        v = jnp.where(li == 5, gy1, v)
        stage_v[...] = v
        par = i % 2
        pltpu.sync_copy(stage_v, pub_sh.at[par, 0, wid])
        pltpu.sync_copy(stage_v, pub_sh.at[par, 1, wid])
        plsc.subcore_barrier()
        pltpu.sync_copy(pub_sh.at[par, 1], merge_v)

        zero16 = jnp.zeros((16,), jnp.int32)
        scores = plsc.load_gather(merge_v, [li, zero16])
        m_g = _bfly_max(scores, li)
        rv = _bfly_min(jnp.where(scores == m_g, li, BIG), li)
        idx_g = plsc.bitcast(
            plsc.load_gather(merge_v, [rv, zero16 + 1]), jnp.int32)
        bx0 = plsc.load_gather(merge_v, [rv, zero16 + 2])
        by0 = plsc.load_gather(merge_v, [rv, zero16 + 3])
        bx1 = plsc.load_gather(merge_v, [rv, zero16 + 4])
        by1 = plsc.load_gather(merge_v, [rv, zero16 + 5])
        validv = m_g > NEG_INF

        @pl.when(wid == 0)
        def _():
            kvec = jnp.where(validv, idx_g, -1)
            plsc.store_scatter(keep_v, [jnp.broadcast_to(i, (16,))], kvec,
                               mask=li == 0)

        barea = (jnp.maximum(bx1 - bx0, 0.0) * jnp.maximum(by1 - by0, 0.0))

        def supp(j, carry2):
            macc2, iacc2 = carry2
            sl = pl.ds(j * 16, 16)
            x0c = x0_v[sl]
            y0c = y0_v[sl]
            x1c = x1_v[sl]
            y1c = y1_v[sl]
            arc = ar_v[sl]
            sc = s_v[sl]
            linc = base + j * 16 + li
            yy1 = jnp.maximum(bx0, x0c)
            xx1 = jnp.maximum(by0, y0c)
            yy2 = jnp.minimum(bx1, x1c)
            xx2 = jnp.minimum(by1, y1c)
            inter = (jnp.maximum(yy2 - yy1, 0.0) * jnp.maximum(xx2 - xx1, 0.0))
            union = (barea + arc) - inter
            iou = jnp.where(union > 0.0, inter / union, 0.0)
            kill = ((iou > IOU_THR) | (linc == idx_g)) & validv
            s_new = jnp.where(kill, NEG_INF, sc)
            s_v[sl] = s_new
            upd = s_new > macc2
            return jnp.where(upd, s_new, macc2), jnp.where(upd, linc, iacc2)

        return lax.fori_loop(0, CH, supp, (minf, bigv))

    lax.fori_loop(0, NMS_OUT, iter_body, (macc0, iacc0))

    @pl.when(wid == 0)
    def _():
        pltpu.sync_copy(keep_v, out_h)
        pltpu.sync_copy(keep_v, out_h)


@functools.cache
def _nms_sc():
    return pl.kernel(
        _nms_sc_body,
        out_type=jax.ShapeDtypeStruct((KEEP_PAD,), jnp.int32),
        mesh=plsc.VectorSubcoreMesh(
            core_axis_name="c", subcore_axis_name="s",
            num_cores=1, num_subcores=NW),
        compiler_params=pltpu.CompilerParams(needs_layout_passes=False),
        scratch_types=[
            pltpu.VMEM((PER_W,), jnp.float32),
            pltpu.VMEM((PER_W,), jnp.float32),
            pltpu.VMEM((PER_W,), jnp.float32),
            pltpu.VMEM((PER_W,), jnp.float32),
            pltpu.VMEM((PER_W,), jnp.float32),
            pltpu.VMEM((PER_W,), jnp.float32),
            pltpu.VMEM((16,), jnp.float32),
            pltpu.VMEM((NW, 16), jnp.float32),
            pltpu.VMEM((KEEP_PAD,), jnp.int32),
            pltpu.VMEM_SHARED((2, 2, NW, 16), jnp.float32),
        ],
    )


@jax.jit
def kernel(rpn_feature, anchors, img_sz, W_cls, b_cls, W_bbox, b_bbox):
    flat = rpn_feature.reshape(N_PIX, C_IN)
    prob, bbox = pl.pallas_call(
        _head_body,
        out_shape=(
            jax.ShapeDtypeStruct((N_PIX, 2 * ANCHORS_NUM), jnp.float32),
            jax.ShapeDtypeStruct((N_PIX, 4 * ANCHORS_NUM), jnp.float32),
        ),
    )(flat, W_cls, b_cls.reshape(1, -1), W_bbox, b_bbox.reshape(1, -1))

    s_in = prob[:, ANCHORS_NUM:].reshape(-1)
    anc = anchors.T.reshape(4, ROWS, LANES)
    pred_t = bbox.reshape(N_BOX, 4).T
    tsel = jnp.concatenate([pred_t[0:2], pred_t[3:4]], axis=0)
    tpl = tsel.reshape(3, ROWS, LANES)

    x0, y0, x1, y1 = pl.pallas_call(
        _decode_body,
        out_shape=(jax.ShapeDtypeStruct((ROWS, LANES), jnp.float32),) * 4,
        in_specs=[
            pl.BlockSpec(),
            pl.BlockSpec(),
            pl.BlockSpec(memory_space=pltpu.SMEM),
        ],
    )(anc, tpl, img_sz)

    planes = jnp.stack([x0.reshape(-1), y0.reshape(-1), x1.reshape(-1),
                        y1.reshape(-1), s_in]).reshape(-1)

    keep = _nms_sc()(planes)
    return keep[:NMS_OUT]

# --- scband reference (transcript-rebuilt; emitter-appended) ---
"""Pipeline reference for scband-rpn-35854386987658 (READ-ONLY COPY).

The authoritative reference and input builder live on the scoring server;
editing this copy changes nothing except your own understanding.
"""

import jax, jax.numpy as jnp
import numpy as np

ANCHORS_NUM = 9
NMS_OUT = 300
IOU_THR = 0.7


def setup_inputs(seed: int = 0) -> dict:
    key = jax.random.key(seed)
    k1, k2, k3, k4 = jax.random.split(key, 4)
    rpn_feature = jax.random.normal(k1, (1, 48, 48, 512), dtype=jnp.float32)
    anchors = jax.random.uniform(k2, (20736, 4), dtype=jnp.float32)
    img_sz = jnp.ones((2,), dtype=jnp.float32)
    # learned params: 1x1 convs == per-pixel matmuls over channels
    W_cls = jax.random.normal(k3, (512, ANCHORS_NUM * 2), dtype=jnp.float32) * 0.01
    b_cls = jnp.zeros((ANCHORS_NUM * 2,), dtype=jnp.float32)
    W_bbox = jax.random.normal(k4, (512, ANCHORS_NUM * 4), dtype=jnp.float32) * 0.01
    b_bbox = jnp.zeros((ANCHORS_NUM * 4,), dtype=jnp.float32)
    return {"rpn_feature": rpn_feature, "anchors": anchors, "img_sz": img_sz,
            "W_cls": W_cls, "b_cls": b_cls, "W_bbox": W_bbox, "b_bbox": b_bbox}


def convert_and_clip(anchors, pred, img_sz):
    w = anchors[:, 3] - anchors[:, 1] + 1.0
    h = anchors[:, 2] - anchors[:, 0] + 1.0
    x = anchors[:, 0] + 0.5 * h
    y = anchors[:, 1] + 0.5 * w
    tx = pred[:, 0]
    ty = pred[:, 1]
    tw = pred[:, 2]
    th = pred[:, 3]
    x_pred = tx * h + x
    y_pred = ty * w + y
    w_pred = jnp.exp(tw) * w
    h_pred = jnp.exp(th) * h
    x0 = x_pred - 0.5 * h_pred
    x1 = x_pred + 0.5 * h_pred
    # NOTE: original code uses y_pred (not w_pred/h_pred) here; preserved faithfully
    y0 = y_pred - 0.5 * y_pred
    y1 = y_pred + 0.5 * y_pred
    x0 = jnp.maximum(x0, 0.0)
    x1 = jnp.minimum(x1, img_sz[0])
    y0 = jnp.maximum(y0, 0.0)
    y1 = jnp.minimum(y1, img_sz[1])
    return jnp.stack([x0, y0, x1, y1], axis=1)


def _nms(boxes, scores, max_out, iou_thr):
    # greedy NMS equivalent to tf.image.non_max_suppression; returns
    # fixed-size index array padded with -1
    areas = jnp.maximum(boxes[:, 2] - boxes[:, 0], 0.0) * jnp.maximum(boxes[:, 3] - boxes[:, 1], 0.0)

    def body(i, state):
        s, keep = state
        idx = jnp.argmax(s)
        valid = s[idx] > -jnp.inf
        keep = keep.at[i].set(jnp.where(valid, idx, -1).astype(jnp.int32))
        box = boxes[idx]
        yy1 = jnp.maximum(box[0], boxes[:, 0])
        xx1 = jnp.maximum(box[1], boxes[:, 1])
        yy2 = jnp.minimum(box[2], boxes[:, 2])
        xx2 = jnp.minimum(box[3], boxes[:, 3])
        inter = jnp.maximum(yy2 - yy1, 0.0) * jnp.maximum(xx2 - xx1, 0.0)
        box_area = jnp.maximum(box[2] - box[0], 0.0) * jnp.maximum(box[3] - box[1], 0.0)
        union = box_area + areas - inter
        iou = jnp.where(union > 0.0, inter / union, 0.0)
        suppress = (iou > iou_thr) & valid
        s = jnp.where(suppress, -jnp.inf, s)
        s = s.at[idx].set(-jnp.inf)
        return s, keep

    keep0 = jnp.full((max_out,), -1, dtype=jnp.int32)
    _, keep = jax.lax.fori_loop(0, max_out, body, (scores, keep0))
    return keep


def reference(rpn_feature, anchors, img_sz, W_cls, b_cls, W_bbox, b_bbox):
    B, H, W_, C = rpn_feature.shape
    flat = rpn_feature.reshape(-1, C)
    rpn_cls_score = (flat @ W_cls + b_cls).reshape(B, H, W_, ANCHORS_NUM * 2)
    rpn_cls_score_reshape = rpn_cls_score.reshape(-1, 2)
    rpn_cls_prob = jax.nn.softmax(rpn_cls_score_reshape, axis=-1)
    rpn_cls_pred = jnp.argmax(rpn_cls_prob, axis=-1)  # computed in original, unused
    rpn_cls_prob = rpn_cls_prob.reshape(rpn_cls_score.shape)
    rpn_bbox_pred = (flat @ W_bbox + b_bbox).reshape(B, H, W_, ANCHORS_NUM * 4)
    rpn_bbox_pred = rpn_bbox_pred.reshape(-1, 4)
    rpn_cls_prob_fgrd = rpn_cls_prob[:, :, :, ANCHORS_NUM:].reshape(-1)
    anchor_preds = convert_and_clip(anchors, rpn_bbox_pred, img_sz)
    proposals = _nms(anchor_preds, rpn_cls_prob_fgrd, NMS_OUT, IOU_THR)
    return proposals

if __name__ == "__main__":
    import jax
    _d = setup_inputs()
    print(jax.jit(kernel)(*tuple(_d.values())))

</pallas_src>

<mosaic_0001>
#map = affine_map<(d0, d1) -> (0)>
module attributes {stable_mosaic.version = 14 : i64} {
  func.func @_nms_sc_body(%arg0: i32, %arg1: i32, %arg2: memref<103680xf32, #tpu.memory_space<hbm>>, %arg3: memref<304xi32, #tpu.memory_space<hbm>>, %arg4: memref<1296xf32, #tpu.memory_space<vmem>>, %arg5: memref<1296xf32, #tpu.memory_space<vmem>>, %arg6: memref<1296xf32, #tpu.memory_space<vmem>>, %arg7: memref<1296xf32, #tpu.memory_space<vmem>>, %arg8: memref<1296xf32, #tpu.memory_space<vmem>>, %arg9: memref<1296xf32, #tpu.memory_space<vmem>>, %arg10: memref<16xf32, #tpu.memory_space<vmem>>, %arg11: memref<16x16xf32, #tpu.memory_space<vmem>>, %arg12: memref<304xi32, #tpu.memory_space<vmem>>, %arg13: memref<2x2x16x16xf32, #tpu.memory_space<vmem_shared>>) attributes {dimension_semantics = [#tpu.dimension_semantics<core_parallel>, #tpu.dimension_semantics<subcore_parallel>], iteration_bounds = array<i64: 1, 16>, scalar_prefetch = 0 : i64, scratch_operands = 10 : i64, tpu.core_type = #tpu.core_type<sc_vector_subcore>, window_params = [{transform_indices = #map}, {transform_indices = #map}]} {
    %mul3A = arith.constant 1296 : i32
    %mul3A_0 = arith.muli %arg1, %mul3A : i32
    %iota3A = tpu.iota {dimensions = array<i32: 0>} : vector<16xi32>
    %broadcast_in_dim3A = arith.constant 0xFF800000 : f32
    %broadcast_in_dim3A_1 = vector.broadcast %broadcast_in_dim3A : f32 to vector<16xf32>
    %broadcast_in_dim3A_2 = arith.constant 1073741824 : i32
    %broadcast_in_dim3A_3 = vector.broadcast %broadcast_in_dim3A_2 : i32 to vector<16xi32>
    %add3A = arith.constant 0 : i32
    %add3A_4 = arith.addi %add3A, %mul3A_0 : i32
    "tpu.region"() ({
      %run_scoped3A = tpu.sem_alloc : memref<!tpu.dma_semaphore, #tpu.memory_space<semaphore_mem>>
      %dma_start3A = tpu.memref_slice %arg2[%add3A_4] : memref<103680xf32, #tpu.memory_space<hbm>> -> memref<1296xf32, #tpu.memory_space<hbm>>
      %dma_start3A_31 = tpu.memref_slice %arg2[%add3A_4] : memref<103680xf32, #tpu.memory_space<hbm>> -> memref<1296xf32, #tpu.memory_space<hbm>>
      tpu.enqueue_dma source(%dma_start3A_31 : memref<1296xf32, #tpu.memory_space<hbm>>) target(%arg4 : memref<1296xf32, #tpu.memory_space<vmem>>) target_semaphore(%run_scoped3A : memref<!tpu.dma_semaphore, #tpu.memory_space<semaphore_mem>>)
      %dma_wait3A = tpu.memref_slice %arg2[%add3A_4] : memref<103680xf32, #tpu.memory_space<hbm>> -> memref<1296xf32, #tpu.memory_space<hbm>>
      %dma_wait3A_32 = tpu.memref_slice %arg2[%add3A_4] : memref<103680xf32, #tpu.memory_space<hbm>> -> memref<1296xf32, #tpu.memory_space<hbm>>
      tpu.wait_dma2 semaphore(%run_scoped3A : memref<!tpu.dma_semaphore, #tpu.memory_space<semaphore_mem>>) src(%dma_wait3A_32 : memref<1296xf32, #tpu.memory_space<hbm>>) dst(%arg4 : memref<1296xf32, #tpu.memory_space<vmem>>)
      tpu.yield
    }) : () -> ()
    %add3A_5 = arith.constant 20736 : i32
    %add3A_6 = arith.addi %add3A_5, %mul3A_0 : i32
    "tpu.region"() ({
      %run_scoped3A = tpu.sem_alloc : memref<!tpu.dma_semaphore, #tpu.memory_space<semaphore_mem>>
      %dma_start3A = tpu.memref_slice %arg2[%add3A_6] : memref<103680xf32, #tpu.memory_space<hbm>> -> memref<1296xf32, #tpu.memory_space<hbm>>
      %dma_start3A_31 = tpu.memref_slice %arg2[%add3A_6] : memref<103680xf32, #tpu.memory_space<hbm>> -> memref<1296xf32, #tpu.memory_space<hbm>>
      tpu.enqueue_dma source(%dma_start3A_31 : memref<1296xf32, #tpu.memory_space<hbm>>) target(%arg5 : memref<1296xf32, #tpu.memory_space<vmem>>) target_semaphore(%run_scoped3A : memref<!tpu.dma_semaphore, #tpu.memory_space<semaphore_mem>>)
      %dma_wait3A = tpu.memref_slice %arg2[%add3A_6] : memref<103680xf32, #tpu.memory_space<hbm>> -> memref<1296xf32, #tpu.memory_space<hbm>>
      %dma_wait3A_32 = tpu.memref_slice %arg2[%add3A_6] : memref<103680xf32, #tpu.memory_space<hbm>> -> memref<1296xf32, #tpu.memory_space<hbm>>
      tpu.wait_dma2 semaphore(%run_scoped3A : memref<!tpu.dma_semaphore, #tpu.memory_space<semaphore_mem>>) src(%dma_wait3A_32 : memref<1296xf32, #tpu.memory_space<hbm>>) dst(%arg5 : memref<1296xf32, #tpu.memory_space<vmem>>)
      tpu.yield
    }) : () -> ()
    %add3A_7 = arith.constant 41472 : i32
    %add3A_8 = arith.addi %add3A_7, %mul3A_0 : i32
    "tpu.region"() ({
      %run_scoped3A = tpu.sem_alloc : memref<!tpu.dma_semaphore, #tpu.memory_space<semaphore_mem>>
      %dma_start3A = tpu.memref_slice %arg2[%add3A_8] : memref<103680xf32, #tpu.memory_space<hbm>> -> memref<1296xf32, #tpu.memory_space<hbm>>
      %dma_start3A_31 = tpu.memref_slice %arg2[%add3A_8] : memref<103680xf32, #tpu.memory_space<hbm>> -> memref<1296xf32, #tpu.memory_space<hbm>>
      tpu.enqueue_dma source(%dma_start3A_31 : memref<1296xf32, #tpu.memory_space<hbm>>) target(%arg6 : memref<1296xf32, #tpu.memory_space<vmem>>) target_semaphore(%run_scoped3A : memref<!tpu.dma_semaphore, #tpu.memory_space<semaphore_mem>>)
      %dma_wait3A = tpu.memref_slice %arg2[%add3A_8] : memref<103680xf32, #tpu.memory_space<hbm>> -> memref<1296xf32, #tpu.memory_space<hbm>>
      %dma_wait3A_32 = tpu.memref_slice %arg2[%add3A_8] : memref<103680xf32, #tpu.memory_space<hbm>> -> memref<1296xf32, #tpu.memory_space<hbm>>
      tpu.wait_dma2 semaphore(%run_scoped3A : memref<!tpu.dma_semaphore, #tpu.memory_space<semaphore_mem>>) src(%dma_wait3A_32 : memref<1296xf32, #tpu.memory_space<hbm>>) dst(%arg6 : memref<1296xf32, #tpu.memory_space<vmem>>)
      tpu.yield
    }) : () -> ()
    %add3A_9 = arith.constant 62208 : i32
    %add3A_10 = arith.addi %add3A_9, %mul3A_0 : i32
    "tpu.region"() ({
      %run_scoped3A = tpu.sem_alloc : memref<!tpu.dma_semaphore, #tpu.memory_space<semaphore_mem>>
      %dma_start3A = tpu.memref_slice %arg2[%add3A_10] : memref<103680xf32, #tpu.memory_space<hbm>> -> memref<1296xf32, #tpu.memory_space<hbm>>
      %dma_start3A_31 = tpu.memref_slice %arg2[%add3A_10] : memref<103680xf32, #tpu.memory_space<hbm>> -> memref<1296xf32, #tpu.memory_space<hbm>>
      tpu.enqueue_dma source(%dma_start3A_31 : memref<1296xf32, #tpu.memory_space<hbm>>) target(%arg7 : memref<1296xf32, #tpu.memory_space<vmem>>) target_semaphore(%run_scoped3A : memref<!tpu.dma_semaphore, #tpu.memory_space<semaphore_mem>>)
      %dma_wait3A = tpu.memref_slice %arg2[%add3A_10] : memref<103680xf32, #tpu.memory_space<hbm>> -> memref<1296xf32, #tpu.memory_space<hbm>>
      %dma_wait3A_32 = tpu.memref_slice %arg2[%add3A_10] : memref<103680xf32, #tpu.memory_space<hbm>> -> memref<1296xf32, #tpu.memory_space<hbm>>
      tpu.wait_dma2 semaphore(%run_scoped3A : memref<!tpu.dma_semaphore, #tpu.memory_space<semaphore_mem>>) src(%dma_wait3A_32 : memref<1296xf32, #tpu.memory_space<hbm>>) dst(%arg7 : memref<1296xf32, #tpu.memory_space<vmem>>)
      tpu.yield
    }) : () -> ()
    %add3A_11 = arith.constant 82944 : i32
    %add3A_12 = arith.addi %add3A_11, %mul3A_0 : i32
    "tpu.region"() ({
      %run_scoped3A = tpu.sem_alloc : memref<!tpu.dma_semaphore, #tpu.memory_space<semaphore_mem>>
      %dma_start3A = tpu.memref_slice %arg2[%add3A_12] : memref<103680xf32, #tpu.memory_space<hbm>> -> memref<1296xf32, #tpu.memory_space<hbm>>
      %dma_start3A_31 = tpu.memref_slice %arg2[%add3A_12] : memref<103680xf32, #tpu.memory_space<hbm>> -> memref<1296xf32, #tpu.memory_space<hbm>>
      tpu.enqueue_dma source(%dma_start3A_31 : memref<1296xf32, #tpu.memory_space<hbm>>) target(%arg9 : memref<1296xf32, #tpu.memory_space<vmem>>) target_semaphore(%run_scoped3A : memref<!tpu.dma_semaphore, #tpu.memory_space<semaphore_mem>>)
      %dma_wait3A = tpu.memref_slice %arg2[%add3A_12] : memref<103680xf32, #tpu.memory_space<hbm>> -> memref<1296xf32, #tpu.memory_space<hbm>>
      %dma_wait3A_32 = tpu.memref_slice %arg2[%add3A_12] : memref<103680xf32, #tpu.memory_space<hbm>> -> memref<1296xf32, #tpu.memory_space<hbm>>
      tpu.wait_dma2 semaphore(%run_scoped3A : memref<!tpu.dma_semaphore, #tpu.memory_space<semaphore_mem>>) src(%dma_wait3A_32 : memref<1296xf32, #tpu.memory_space<hbm>>) dst(%arg9 : memref<1296xf32, #tpu.memory_space<vmem>>)
      tpu.yield
    }) : () -> ()
    %eq3A = arith.constant 0 : i32
    %eq3A_13 = arith.cmpi eq, %arg1, %eq3A : i32
    %convert_element_type3A = arith.extui %eq3A_13 : i1 to i32
    %cond3A = arith.constant 0 : i32
    %cond3A_14 = arith.cmpi ne, %convert_element_type3A, %cond3A : i32
    scf.if %cond3A_14 {
      %broadcast_in_dim3A_31 = arith.constant -1 : i32
      %broadcast_in_dim3A_32 = vector.broadcast %broadcast_in_dim3A_31 : i32 to vector<16xi32>
      %swap3A = arith.constant 288 : index
      %swap3A_33 = tpu.vector_load %arg12[%swap3A] {strides = array<i32>} : memref<304xi32, #tpu.memory_space<vmem>>, vector<16xi32>,
      tpu.vector_store %arg12[%swap3A], %broadcast_in_dim3A_32 {strides = array<i32>} : memref<304xi32, #tpu.memory_space<vmem>>, vector<16xi32>,
    } else {
    }
    %scan3A = arith.constant 0 : i32
    %scan3A_15 = arith.constant 81 : i32
    %scan3A_16 = arith.addi %scan3A, %scan3A_15 : i32
    %scan3A_17 = arith.constant 1 : i32
    %scan3A_18:2 = scf.for %scan3A_31 = %scan3A to %scan3A_16 step %scan3A_17 iter_args(%scan3A_32 = %broadcast_in_dim3A_1, %scan3A_33 = %broadcast_in_dim3A_3) -> (vector<16xf32>, vector<16xi32>)  : i32 {
      %mul3A_34 = arith.constant 16 : i32
      %mul3A_35 = arith.muli %scan3A_31, %mul3A_34 : i32
      %get3A = arith.index_cast %mul3A_35 : i32 to index
      %get3A_36 = tpu.vector_load %arg4[%get3A] {strides = array<i32>} : memref<1296xf32, #tpu.memory_space<vmem>>, vector<16xf32>,
      %get3A_37 = arith.index_cast %mul3A_35 : i32 to index
      %get3A_38 = tpu.vector_load %arg5[%get3A_37] {strides = array<i32>} : memref<1296xf32, #tpu.memory_space<vmem>>, vector<16xf32>,
      %get3A_39 = arith.index_cast %mul3A_35 : i32 to index
      %get3A_40 = tpu.vector_load %arg6[%get3A_39] {strides = array<i32>} : memref<1296xf32, #tpu.memory_space<vmem>>, vector<16xf32>,
      %get3A_41 = arith.index_cast %mul3A_35 : i32 to index
      %get3A_42 = tpu.vector_load %arg7[%get3A_41] {strides = array<i32>} : memref<1296xf32, #tpu.memory_space<vmem>>, vector<16xf32>,
      %sub3A = arith.subf %get3A_40, %get3A_36 : vector<16xf32>
      %max3A = arith.constant 0.000000e+00 : f32
      %max3A_43 = vector.broadcast %max3A : f32 to vector<16xf32>
      %max3A_44 = arith.maximumf %sub3A, %max3A_43 : vector<16xf32>
      %sub3A_45 = arith.subf %get3A_42, %get3A_38 : vector<16xf32>
      %max3A_46 = arith.constant 0.000000e+00 : f32
      %max3A_47 = vector.broadcast %max3A_46 : f32 to vector<16xf32>
      %max3A_48 = arith.maximumf %sub3A_45, %max3A_47 : vector<16xf32>
      %mul3A_49 = arith.mulf %max3A_44, %max3A_48 : vector<16xf32>
      %swap3A = arith.index_cast %mul3A_35 : i32 to index
      %swap3A_50 = tpu.vector_load %arg8[%swap3A] {strides = array<i32>} : memref<1296xf32, #tpu.memory_space<vmem>>, vector<16xf32>,
      tpu.vector_store %arg8[%swap3A], %mul3A_49 {strides = array<i32>} : memref<1296xf32, #tpu.memory_space<vmem>>, vector<16xf32>,
      %get3A_51 = arith.index_cast %mul3A_35 : i32 to index
      %get3A_52 = tpu.vector_load %arg9[%get3A_51] {strides = array<i32>} : memref<1296xf32, #tpu.memory_space<vmem>>, vector<16xf32>,
      %mul3A_53 = arith.constant 16 : i32
      %mul3A_54 = arith.muli %scan3A_31, %mul3A_53 : i32
      %add3A_55 = arith.addi %mul3A_0, %mul3A_54 : i32
      %add3A_56 = vector.broadcast %add3A_55 : i32 to vector<16xi32>
      %add3A_57 = arith.addi %add3A_56, %iota3A : vector<16xi32>
      %gt3A = arith.cmpf ogt, %get3A_52, %scan3A_32 : vector<16xf32>
      %select_n3A = arith.select %gt3A, %get3A_52, %scan3A_32 : vector<16xi1>, vector<16xf32>
      %select_n3A_58 = arith.select %gt3A, %add3A_57, %scan3A_33 : vector<16xi1>, vector<16xi32>
      scf.yield %select_n3A, %select_n3A_58 : vector<16xf32>, vector<16xi32>
    }
    %scan3A_19 = arith.constant 81 : i32
    %scan3A_20 = arith.constant 0 : i32
    %scan3A_21 = arith.constant 300 : i32
    %scan3A_22 = arith.addi %scan3A_20, %scan3A_21 : i32
    %scan3A_23 = arith.constant 1 : i32
    %scan3A_24:2 = scf.for %scan3A_31 = %scan3A_20 to %scan3A_22 step %scan3A_23 iter_args(%scan3A_32 = %scan3A_18#0, %scan3A_33 = %scan3A_18#1) -> (vector<16xf32>, vector<16xi32>)  : i32 {
      %xor3A = arith.constant 1 : i32
      %xor3A_34 = vector.broadcast %xor3A : i32 to vector<16xi32>
      %xor3A_35 = arith.xori %iota3A, %xor3A_34 : vector<16xi32>
      %lt3A = arith.constant 0 : i32
      %lt3A_36 = vector.broadcast %lt3A : i32 to vector<16xi32>
      %lt3A_37 = arith.cmpi slt, %xor3A_35, %lt3A_36 : vector<16xi32>
      %add3A_38 = arith.constant 16 : i32
      %add3A_39 = vector.broadcast %add3A_38 : i32 to vector<16xi32>
      %add3A_40 = arith.addi %xor3A_35, %add3A_39 : vector<16xi32>
      %select_n3A = arith.select %lt3A_37, %add3A_40, %xor3A_35 : vector<16xi1>, vector<16xi32>
      %broadcast_in_dim3A_41 = vector.shape_cast %select_n3A : vector<16xi32> to vector<16x1xi32>
      %gather3A = vector.shape_cast %broadcast_in_dim3A_41 : vector<16x1xi32> to vector<16xi32>
      %gather3A_42 = tpu.dynamic_gather %scan3A_32[%gather3A] in [0] : vector<16xf32>, vector<16xi32> -> vector<16xf32>
      %max3A = arith.maximumf %scan3A_32, %gather3A_42 : vector<16xf32>
      %xor3A_43 = arith.constant 2 : i32
      %xor3A_44 = vector.broadcast %xor3A_43 : i32 to vector<16xi32>
      %xor3A_45 = arith.xori %iota3A, %xor3A_44 : vector<16xi32>
      %lt3A_46 = arith.constant 0 : i32
      %lt3A_47 = vector.broadcast %lt3A_46 : i32 to vector<16xi32>
      %lt3A_48 = arith.cmpi slt, %xor3A_45, %lt3A_47 : vector<16xi32>
      %add3A_49 = arith.constant 16 : i32
      %add3A_50 = vector.broadcast %add3A_49 : i32 to vector<16xi32>
      %add3A_51 = arith.addi %xor3A_45, %add3A_50 : vector<16xi32>
      %select_n3A_52 = arith.select %lt3A_48, %add3A_51, %xor3A_45 : vector<16xi1>, vector<16xi32>
      %broadcast_in_dim3A_53 = vector.shape_cast %select_n3A_52 : vector<16xi32> to vector<16x1xi32>
      %gather3A_54 = vector.shape_cast %broadcast_in_dim3A_53 : vector<16x1xi32> to vector<16xi32>
      %gather3A_55 = tpu.dynamic_gather %max3A[%gather3A_54] in [0] : vector<16xf32>, vector<16xi32> -> vector<16xf32>
      %max3A_56 = arith.maximumf %max3A, %gather3A_55 : vector<16xf32>
      %xor3A_57 = arith.constant 4 : i32
      %xor3A_58 = vector.broadcast %xor3A_57 : i32 to vector<16xi32>
      %xor3A_59 = arith.xori %iota3A, %xor3A_58 : vector<16xi32>
      %lt3A_60 = arith.constant 0 : i32
      %lt3A_61 = vector.broadcast %lt3A_60 : i32 to vector<16xi32>
      %lt3A_62 = arith.cmpi slt, %xor3A_59, %lt3A_61 : vector<16xi32>
      %add3A_63 = arith.constant 16 : i32
      %add3A_64 = vector.broadcast %add3A_63 : i32 to vector<16xi32>
      %add3A_65 = arith.addi %xor3A_59, %add3A_64 : vector<16xi32>
      %select_n3A_66 = arith.select %lt3A_62, %add3A_65, %xor3A_59 : vector<16xi1>, vector<16xi32>
      %broadcast_in_dim3A_67 = vector.shape_cast %select_n3A_66 : vector<16xi32> to vector<16x1xi32>
      %gather3A_68 = vector.shape_cast %broadcast_in_dim3A_67 : vector<16x1xi32> to vector<16xi32>
      %gather3A_69 = tpu.dynamic_gather %max3A_56[%gather3A_68] in [0] : vector<16xf32>, vector<16xi32> -> vector<16xf32>
      %max3A_70 = arith.maximumf %max3A_56, %gather3A_69 : vector<16xf32>
      %xor3A_71 = arith.constant 8 : i32
      %xor3A_72 = vector.broadcast %xor3A_71 : i32 to vector<16xi32>
      %xor3A_73 = arith.xori %iota3A, %xor3A_72 : vector<16xi32>
      %lt3A_74 = arith.constant 0 : i32
      %lt3A_75 = vector.broadcast %lt3A_74 : i32 to vector<16xi32>
      %lt3A_76 = arith.cmpi slt, %xor3A_73, %lt3A_75 : vector<16xi32>
      %add3A_77 = arith.constant 16 : i32
      %add3A_78 = vector.broadcast %add3A_77 : i32 to vector<16xi32>
      %add3A_79 = arith.addi %xor3A_73, %add3A_78 : vector<16xi32>
      %select_n3A_80 = arith.select %lt3A_76, %add3A_79, %xor3A_73 : vector<16xi1>, vector<16xi32>
      %broadcast_in_dim3A_81 = vector.shape_cast %select_n3A_80 : vector<16xi32> to vector<16x1xi32>
      %gather3A_82 = vector.shape_cast %broadcast_in_dim3A_81 : vector<16x1xi32> to vector<16xi32>
      %gather3A_83 = tpu.dynamic_gather %max3A_70[%gather3A_82] in [0] : vector<16xf32>, vector<16xi32> -> vector<16xf32>
      %max3A_84 = arith.maximumf %max3A_70, %gather3A_83 : vector<16xf32>
      %eq3A_85 = arith.cmpf oeq, %scan3A_32, %max3A_84 : vector<16xf32>
      %jit3A = arith.constant 1073741824 : i32
      %broadcast_in_dim3A_86 = vector.broadcast %jit3A : i32 to vector<16xi32>
      %select_n3A_87 = arith.select %eq3A_85, %scan3A_33, %broadcast_in_dim3A_86 : vector<16xi1>, vector<16xi32>
      %xor3A_88 = arith.constant 1 : i32
      %xor3A_89 = vector.broadcast %xor3A_88 : i32 to vector<16xi32>
      %xor3A_90 = arith.xori %iota3A, %xor3A_89 : vector<16xi32>
      %lt3A_91 = arith.constant 0 : i32
      %lt3A_92 = vector.broadcast %lt3A_91 : i32 to vector<16xi32>
      %lt3A_93 = arith.cmpi slt, %xor3A_90, %lt3A_92 : vector<16xi32>
      %add3A_94 = arith.constant 16 : i32
      %add3A_95 = vector.broadcast %add3A_94 : i32 to vector<16xi32>
      %add3A_96 = arith.addi %xor3A_90, %add3A_95 : vector<16xi32>
      %select_n3A_97 = arith.select %lt3A_93, %add3A_96, %xor3A_90 : vector<16xi1>, vector<16xi32>
      %broadcast_in_dim3A_98 = vector.shape_cast %select_n3A_97 : vector<16xi32> to vector<16x1xi32>
      %gather3A_99 = vector.shape_cast %broadcast_in_dim3A_98 : vector<16x1xi32> to vector<16xi32>
      %gather3A_100 = tpu.dynamic_gather %select_n3A_87[%gather3A_99] in [0] : vector<16xi32>, vector<16xi32> -> vector<16xi32>
      %min3A = arith.minsi %select_n3A_87, %gather3A_100 : vector<16xi32>
      %xor3A_101 = arith.constant 2 : i32
      %xor3A_102 = vector.broadcast %xor3A_101 : i32 to vector<16xi32>
      %xor3A_103 = arith.xori %iota3A, %xor3A_102 : vector<16xi32>
      %lt3A_104 = arith.constant 0 : i32
      %lt3A_105 = vector.broadcast %lt3A_104 : i32 to vector<16xi32>
      %lt3A_106 = arith.cmpi slt, %xor3A_103, %lt3A_105 : vector<16xi32>
      %add3A_107 = arith.constant 16 : i32
      %add3A_108 = vector.broadcast %add3A_107 : i32 to vector<16xi32>
      %add3A_109 = arith.addi %xor3A_103, %add3A_108 : vector<16xi32>
      %select_n3A_110 = arith.select %lt3A_106, %add3A_109, %xor3A_103 : vector<16xi1>, vector<16xi32>
      %broadcast_in_dim3A_111 = vector.shape_cast %select_n3A_110 : vector<16xi32> to vector<16x1xi32>
      %gather3A_112 = vector.shape_cast %broadcast_in_dim3A_111 : vector<16x1xi32> to vector<16xi32>
      %gather3A_113 = tpu.dynamic_gather %min3A[%gather3A_112] in [0] : vector<16xi32>, vector<16xi32> -> vector<16xi32>
      %min3A_114 = arith.minsi %min3A, %gather3A_113 : vector<16xi32>
      %xor3A_115 = arith.constant 4 : i32
      %xor3A_116 = vector.broadcast %xor3A_115 : i32 to vector<16xi32>
      %xor3A_117 = arith.xori %iota3A, %xor3A_116 : vector<16xi32>
      %lt3A_118 = arith.constant 0 : i32
      %lt3A_119 = vector.broadcast %lt3A_118 : i32 to vector<16xi32>
      %lt3A_120 = arith.cmpi slt, %xor3A_117, %lt3A_119 : vector<16xi32>
      %add3A_121 = arith.constant 16 : i32
      %add3A_122 = vector.broadcast %add3A_121 : i32 to vector<16xi32>
      %add3A_123 = arith.addi %xor3A_117, %add3A_122 : vector<16xi32>
      %select_n3A_124 = arith.select %lt3A_120, %add3A_123, %xor3A_117 : vector<16xi1>, vector<16xi32>
      %broadcast_in_dim3A_125 = vector.shape_cast %select_n3A_124 : vector<16xi32> to vector<16x1xi32>
      %gather3A_126 = vector.shape_cast %broadcast_in_dim3A_125 : vector<16x1xi32> to vector<16xi32>
      %gather3A_127 = tpu.dynamic_gather %min3A_114[%gather3A_126] in [0] : vector<16xi32>, vector<16xi32> -> vector<16xi32>
      %min3A_128 = arith.minsi %min3A_114, %gather3A_127 : vector<16xi32>
      %xor3A_129 = arith.constant 8 : i32
      %xor3A_130 = vector.broadcast %xor3A_129 : i32 to vector<16xi32>
      %xor3A_131 = arith.xori %iota3A, %xor3A_130 : vector<16xi32>
      %lt3A_132 = arith.constant 0 : i32
      %lt3A_133 = vector.broadcast %lt3A_132 : i32 to vector<16xi32>
      %lt3A_134 = arith.cmpi slt, %xor3A_131, %lt3A_133 : vector<16xi32>
      %add3A_135 = arith.constant 16 : i32
      %add3A_136 = vector.broadcast %add3A_135 : i32 to vector<16xi32>
      %add3A_137 = arith.addi %xor3A_131, %add3A_136 : vector<16xi32>
      %select_n3A_138 = arith.select %lt3A_134, %add3A_137, %xor3A_131 : vector<16xi1>, vector<16xi32>
      %broadcast_in_dim3A_139 = vector.shape_cast %select_n3A_138 : vector<16xi32> to vector<16x1xi32>
      %gather3A_140 = vector.shape_cast %broadcast_in_dim3A_139 : vector<16x1xi32> to vector<16xi32>
      %gather3A_141 = tpu.dynamic_gather %min3A_128[%gather3A_140] in [0] : vector<16xi32>, vector<16xi32> -> vector<16xi32>
      %min3A_142 = arith.minsi %min3A_128, %gather3A_141 : vector<16xi32>
      %sub3A = vector.broadcast %mul3A_0 : i32 to vector<16xi32>
      %sub3A_143 = arith.subi %min3A_142, %sub3A : vector<16xi32>
      %jit3A_144 = arith.constant 0 : i32
      %jit3A_145 = arith.constant 1295 : i32
      %max3A_146 = vector.broadcast %jit3A_144 : i32 to vector<16xi32>
      %max3A_147 = arith.maxsi %max3A_146, %sub3A_143 : vector<16xi32>
      %min3A_148 = vector.broadcast %jit3A_145 : i32 to vector<16xi32>
      %min3A_149 = arith.minsi %min3A_148, %max3A_147 : vector<16xi32>
      %gather3A_150 = tpu.vector_load_idx %arg4[%min3A_149] : memref<1296xf32, #tpu.memory_space<vmem>>[vector<16xi32>], vector<16xf32>,
      %gather3A_151 = tpu.vector_load_idx %arg5[%min3A_149] : memref<1296xf32, #tpu.memory_space<vmem>>[vector<16xi32>], vector<16xf32>,
      %gather3A_152 = tpu.vector_load_idx %arg6[%min3A_149] : memref<1296xf32, #tpu.memory_space<vmem>>[vector<16xi32>], vector<16xf32>,
      %gather3A_153 = tpu.vector_load_idx %arg7[%min3A_149] : memref<1296xf32, #tpu.memory_space<vmem>>[vector<16xi32>], vector<16xf32>,
      %bitcast3A = vector.bitcast %min3A_142 : vector<16xi32> to vector<16xf32>
      %eq3A_154 = arith.constant 1 : i32
      %eq3A_155 = vector.broadcast %eq3A_154 : i32 to vector<16xi32>
      %eq3A_156 = arith.cmpi eq, %iota3A, %eq3A_155 : vector<16xi32>
      %select_n3A_157 = arith.select %eq3A_156, %bitcast3A, %max3A_84 : vector<16xi1>, vector<16xf32>
      %eq3A_158 = arith.constant 2 : i32
      %eq3A_159 = vector.broadcast %eq3A_158 : i32 to vector<16xi32>
      %eq3A_160 = arith.cmpi eq, %iota3A, %eq3A_159 : vector<16xi32>
      %select_n3A_161 = arith.select %eq3A_160, %gather3A_150, %select_n3A_157 : vector<16xi1>, vector<16xf32>
      %eq3A_162 = arith.constant 3 : i32
      %eq3A_163 = vector.broadcast %eq3A_162 : i32 to vector<16xi32>
      %eq3A_164 = arith.cmpi eq, %iota3A, %eq3A_163 : vector<16xi32>
      %select_n3A_165 = arith.select %eq3A_164, %gather3A_151, %select_n3A_161 : vector<16xi1>, vector<16xf32>
      %eq3A_166 = arith.constant 4 : i32
      %eq3A_167 = vector.broadcast %eq3A_166 : i32 to vector<16xi32>
      %eq3A_168 = arith.cmpi eq, %iota3A, %eq3A_167 : vector<16xi32>
      %select_n3A_169 = arith.select %eq3A_168, %gather3A_152, %select_n3A_165 : vector<16xi1>, vector<16xf32>
      %eq3A_170 = arith.constant 5 : i32
      %eq3A_171 = vector.broadcast %eq3A_170 : i32 to vector<16xi32>
      %eq3A_172 = arith.cmpi eq, %iota3A, %eq3A_171 : vector<16xi32>
      %select_n3A_173 = arith.select %eq3A_172, %gather3A_153, %select_n3A_169 : vector<16xi1>, vector<16xf32>
      %swap3A = arith.constant 0 : index
      %swap3A_174 = tpu.vector_load %arg10[%swap3A] {strides = array<i32>} : memref<16xf32, #tpu.memory_space<vmem>>, vector<16xf32>,
      tpu.vector_store %arg10[%swap3A], %select_n3A_173 {strides = array<i32>} : memref<16xf32, #tpu.memory_space<vmem>>, vector<16xf32>,
      %jit3A_175 = arith.constant 2 : i32
      %eq3A_176 = arith.constant 0 : i32
      %eq3A_177 = arith.cmpi eq, %jit3A_175, %eq3A_176 : i32
      %jit3A_178 = arith.constant 1 : i32
      %select_n3A_179 = arith.select %eq3A_177, %jit3A_178, %jit3A_175 : i32
      %rem3A = arith.remsi %scan3A_31, %select_n3A_179 : i32
      %ne3A = arith.constant 0 : i32
      %ne3A_180 = arith.cmpi ne, %rem3A, %ne3A : i32
      %lt3A_181 = arith.constant 0 : i32
      %lt3A_182 = arith.cmpi slt, %rem3A, %lt3A_181 : i32
      %lt3A_183 = arith.constant 0 : i32
      %lt3A_184 = arith.cmpi slt, %select_n3A_179, %lt3A_183 : i32
      %ne3A_185 = arith.xori %lt3A_182, %lt3A_184 : i1
      %and3A = arith.andi %ne3A_185, %ne3A_180 : i1
      %add3A_186 = arith.addi %rem3A, %select_n3A_179 : i32
      %select_n3A_187 = arith.select %and3A, %add3A_186, %rem3A : i32
      %run_scoped3A = arith.constant 0 : i32
      "tpu.region"() ({
        %run_scoped3A_352 = tpu.sem_alloc : memref<!tpu.dma_semaphore, #tpu.memory_space<semaphore_mem>>
        %dma_start3A = arith.constant 0 : i32
        %dma_start3A_353 = tpu.memref_slice %arg13[%select_n3A_187, %run_scoped3A, %arg1, %dma_start3A] : memref<2x2x16x16xf32, #tpu.memory_space<vmem_shared>> -> memref<1x1x1x16xf32, #tpu.memory_space<vmem_shared>>
        %dma_start3A_354 = tpu.memref_squeeze %dma_start3A_353 : memref<1x1x1x16xf32, #tpu.memory_space<vmem_shared>> -> memref<16xf32, #tpu.memory_space<vmem_shared>>
        %dma_start3A_355 = arith.constant 0 : i32
        %dma_start3A_356 = tpu.memref_slice %arg13[%select_n3A_187, %run_scoped3A, %arg1, %dma_start3A_355] : memref<2x2x16x16xf32, #tpu.memory_space<vmem_shared>> -> memref<1x1x1x16xf32, #tpu.memory_space<vmem_shared>>
        %dma_start3A_357 = tpu.memref_squeeze %dma_start3A_356 : memref<1x1x1x16xf32, #tpu.memory_space<vmem_shared>> -> memref<16xf32, #tpu.memory_space<vmem_shared>>
        tpu.enqueue_dma source(%arg10 : memref<16xf32, #tpu.memory_space<vmem>>) target(%dma_start3A_357 : memref<16xf32, #tpu.memory_space<vmem_shared>>) target_semaphore(%run_scoped3A_352 : memref<!tpu.dma_semaphore, #tpu.memory_space<semaphore_mem>>)
        %dma_wait3A = arith.constant 0 : i32
        %dma_wait3A_358 = tpu.memref_slice %arg13[%select_n3A_187, %run_scoped3A, %arg1, %dma_wait3A] : memref<2x2x16x16xf32, #tpu.memory_space<vmem_shared>> -> memref<1x1x1x16xf32, #tpu.memory_space<vmem_shared>>
        %dma_wait3A_359 = tpu.memref_squeeze %dma_wait3A_358 : memref<1x1x1x16xf32, #tpu.memory_space<vmem_shared>> -> memref<16xf32, #tpu.memory_space<vmem_shared>>
        %dma_wait3A_360 = arith.constant 0 : i32
        %dma_wait3A_361 = tpu.memref_slice %arg13[%select_n3A_187, %run_scoped3A, %arg1, %dma_wait3A_360] : memref<2x2x16x16xf32, #tpu.memory_space<vmem_shared>> -> memref<1x1x1x16xf32, #tpu.memory_space<vmem_shared>>
        %dma_wait3A_362 = tpu.memref_squeeze %dma_wait3A_361 : memref<1x1x1x16xf32, #tpu.memory_space<vmem_shared>> -> memref<16xf32, #tpu.memory_space<vmem_shared>>
        tpu.wait_dma2 semaphore(%run_scoped3A_352 : memref<!tpu.dma_semaphore, #tpu.memory_space<semaphore_mem>>) src(%arg10 : memref<16xf32, #tpu.memory_space<vmem>>) dst(%dma_wait3A_362 : memref<16xf32, #tpu.memory_space<vmem_shared>>)
        tpu.yield
      }) : () -> ()
      %run_scoped3A_188 = arith.constant 1 : i32
      "tpu.region"() ({
        %run_scoped3A_352 = tpu.sem_alloc : memref<!tpu.dma_semaphore, #tpu.memory_space<semaphore_mem>>
        %dma_start3A = arith.constant 0 : i32
        %dma_start3A_353 = tpu.memref_slice %arg13[%select_n3A_187, %run_scoped3A_188, %arg1, %dma_start3A] : memref<2x2x16x16xf32, #tpu.memory_space<vmem_shared>> -> memref<1x1x1x16xf32, #tpu.memory_space<vmem_shared>>
        %dma_start3A_354 = tpu.memref_squeeze %dma_start3A_353 : memref<1x1x1x16xf32, #tpu.memory_space<vmem_shared>> -> memref<16xf32, #tpu.memory_space<vmem_shared>>
        %dma_start3A_355 = arith.constant 0 : i32
        %dma_start3A_356 = tpu.memref_slice %arg13[%select_n3A_187, %run_scoped3A_188, %arg1, %dma_start3A_355] : memref<2x2x16x16xf32, #tpu.memory_space<vmem_shared>> -> memref<1x1x1x16xf32, #tpu.memory_space<vmem_shared>>
        %dma_start3A_357 = tpu.memref_squeeze %dma_start3A_356 : memref<1x1x1x16xf32, #tpu.memory_space<vmem_shared>> -> memref<16xf32, #tpu.memory_space<vmem_shared>>
        tpu.enqueue_dma source(%arg10 : memref<16xf32, #tpu.memory_space<vmem>>) target(%dma_start3A_357 : memref<16xf32, #tpu.memory_space<vmem_shared>>) target_semaphore(%run_scoped3A_352 : memref<!tpu.dma_semaphore, #tpu.memory_space<semaphore_mem>>)
        %dma_wait3A = arith.constant 0 : i32
        %dma_wait3A_358 = tpu.memref_slice %arg13[%select_n3A_187, %run_scoped3A_188, %arg1, %dma_wait3A] : memref<2x2x16x16xf32, #tpu.memory_space<vmem_shared>> -> memref<1x1x1x16xf32, #tpu.memory_space<vmem_shared>>
        %dma_wait3A_359 = tpu.memref_squeeze %dma_wait3A_358 : memref<1x1x1x16xf32, #tpu.memory_space<vmem_shared>> -> memref<16xf32, #tpu.memory_space<vmem_shared>>
        %dma_wait3A_360 = arith.constant 0 : i32
        %dma_wait3A_361 = tpu.memref_slice %arg13[%select_n3A_187, %run_scoped3A_188, %arg1, %dma_wait3A_360] : memref<2x2x16x16xf32, #tpu.memory_space<vmem_shared>> -> memref<1x1x1x16xf32, #tpu.memory_space<vmem_shared>>
        %dma_wait3A_362 = tpu.memref_squeeze %dma_wait3A_361 : memref<1x1x1x16xf32, #tpu.memory_space<vmem_shared>> -> memref<16xf32, #tpu.memory_space<vmem_shared>>
        tpu.wait_dma2 semaphore(%run_scoped3A_352 : memref<!tpu.dma_semaphore, #tpu.memory_space<semaphore_mem>>) src(%arg10 : memref<16xf32, #tpu.memory_space<vmem>>) dst(%dma_wait3A_362 : memref<16xf32, #tpu.memory_space<vmem_shared>>)
        tpu.yield
      }) : () -> ()
      %barrier3A = arith.constant 0 : index
      tpu.barrier barrier_id(%barrier3A)
      %run_scoped3A_189 = arith.constant 1 : i32
      "tpu.region"() ({
        %run_scoped3A_352 = tpu.sem_alloc : memref<!tpu.dma_semaphore, #tpu.memory_space<semaphore_mem>>
        %dma_start3A = arith.constant 0 : i32
        %dma_start3A_353 = arith.constant 0 : i32
        %dma_start3A_354 = tpu.memref_slice %arg13[%select_n3A_187, %run_scoped3A_189, %dma_start3A, %dma_start3A_353] : memref<2x2x16x16xf32, #tpu.memory_space<vmem_shared>> -> memref<1x1x16x16xf32, #tpu.memory_space<vmem_shared>>
        %dma_start3A_355 = tpu.memref_squeeze %dma_start3A_354 : memref<1x1x16x16xf32, #tpu.memory_space<vmem_shared>> -> memref<16x16xf32, #tpu.memory_space<vmem_shared>>
        %dma_start3A_356 = arith.constant 0 : i32
        %dma_start3A_357 = arith.constant 0 : i32
        %dma_start3A_358 = tpu.memref_slice %arg13[%select_n3A_187, %run_scoped3A_189, %dma_start3A_356, %dma_start3A_357] : memref<2x2x16x16xf32, #tpu.memory_space<vmem_shared>> -> memref<1x1x16x16xf32, #tpu.memory_space<vmem_shared>>
        %dma_start3A_359 = tpu.memref_squeeze %dma_start3A_358 : memref<1x1x16x16xf32, #tpu.memory_space<vmem_shared>> -> memref<16x16xf32, #tpu.memory_space<vmem_shared>>
        tpu.enqueue_dma source(%dma_start3A_359 : memref<16x16xf32, #tpu.memory_space<vmem_shared>>) target(%arg11 : memref<16x16xf32, #tpu.memory_space<vmem>>) target_semaphore(%run_scoped3A_352 : memref<!tpu.dma_semaphore, #tpu.memory_space<semaphore_mem>>)
        %dma_wait3A = arith.constant 0 : i32
        %dma_wait3A_360 = arith.constant 0 : i32
        %dma_wait3A_361 = tpu.memref_slice %arg13[%select_n3A_187, %run_scoped3A_189, %dma_wait3A, %dma_wait3A_360] : memref<2x2x16x16xf32, #tpu.memory_space<vmem_shared>> -> memref<1x1x16x16xf32, #tpu.memory_space<vmem_shared>>
        %dma_wait3A_362 = tpu.memref_squeeze %dma_wait3A_361 : memref<1x1x16x16xf32, #tpu.memory_space<vmem_shared>> -> memref<16x16xf32, #tpu.memory_space<vmem_shared>>
        %dma_wait3A_363 = arith.constant 0 : i32
        %dma_wait3A_364 = arith.constant 0 : i32
        %dma_wait3A_365 = tpu.memref_slice %arg13[%select_n3A_187, %run_scoped3A_189, %dma_wait3A_363, %dma_wait3A_364] : memref<2x2x16x16xf32, #tpu.memory_space<vmem_shared>> -> memref<1x1x16x16xf32, #tpu.memory_space<vmem_shared>>
        %dma_wait3A_366 = tpu.memref_squeeze %dma_wait3A_365 : memref<1x1x16x16xf32, #tpu.memory_space<vmem_shared>> -> memref<16x16xf32, #tpu.memory_space<vmem_shared>>
        tpu.wait_dma2 semaphore(%run_scoped3A_352 : memref<!tpu.dma_semaphore, #tpu.memory_space<semaphore_mem>>) src(%dma_wait3A_366 : memref<16x16xf32, #tpu.memory_space<vmem_shared>>) dst(%arg11 : memref<16x16xf32, #tpu.memory_space<vmem>>)
        tpu.yield
      }) : () -> ()
      %broadcast_in_dim3A_190 = arith.constant 0 : i32
      %broadcast_in_dim3A_191 = vector.broadcast %broadcast_in_dim3A_190 : i32 to vector<16xi32>
      %gather3A_192 = tpu.vector_load_idx %arg11[%iota3A, %broadcast_in_dim3A_191] : memref<16x16xf32, #tpu.memory_space<vmem>>[vector<16xi32>, vector<16xi32>], vector<16xf32>,
      %xor3A_193 = arith.constant 1 : i32
      %xor3A_194 = vector.broadcast %xor3A_193 : i32 to vector<16xi32>
      %xor3A_195 = arith.xori %iota3A, %xor3A_194 : vector<16xi32>
      %lt3A_196 = arith.constant 0 : i32
      %lt3A_197 = vector.broadcast %lt3A_196 : i32 to vector<16xi32>
      %lt3A_198 = arith.cmpi slt, %xor3A_195, %lt3A_197 : vector<16xi32>
      %add3A_199 = arith.constant 16 : i32
      %add3A_200 = vector.broadcast %add3A_199 : i32 to vector<16xi32>
      %add3A_201 = arith.addi %xor3A_195, %add3A_200 : vector<16xi32>
      %select_n3A_202 = arith.select %lt3A_198, %add3A_201, %xor3A_195 : vector<16xi1>, vector<16xi32>
      %broadcast_in_dim3A_203 = vector.shape_cast %select_n3A_202 : vector<16xi32> to vector<16x1xi32>
      %gather3A_204 = vector.shape_cast %broadcast_in_dim3A_203 : vector<16x1xi32> to vector<16xi32>
      %gather3A_205 = tpu.dynamic_gather %gather3A_192[%gather3A_204] in [0] : vector<16xf32>, vector<16xi32> -> vector<16xf32>
      %max3A_206 = arith.maximumf %gather3A_192, %gather3A_205 : vector<16xf32>
      %xor3A_207 = arith.constant 2 : i32
      %xor3A_208 = vector.broadcast %xor3A_207 : i32 to vector<16xi32>
      %xor3A_209 = arith.xori %iota3A, %xor3A_208 : vector<16xi32>
      %lt3A_210 = arith.constant 0 : i32
      %lt3A_211 = vector.broadcast %lt3A_210 : i32 to vector<16xi32>
      %lt3A_212 = arith.cmpi slt, %xor3A_209, %lt3A_211 : vector<16xi32>
      %add3A_213 = arith.constant 16 : i32
      %add3A_214 = vector.broadcast %add3A_213 : i32 to vector<16xi32>
      %add3A_215 = arith.addi %xor3A_209, %add3A_214 : vector<16xi32>
      %select_n3A_216 = arith.select %lt3A_212, %add3A_215, %xor3A_209 : vector<16xi1>, vector<16xi32>
      %broadcast_in_dim3A_217 = vector.shape_cast %select_n3A_216 : vector<16xi32> to vector<16x1xi32>
      %gather3A_218 = vector.shape_cast %broadcast_in_dim3A_217 : vector<16x1xi32> to vector<16xi32>
      %gather3A_219 = tpu.dynamic_gather %max3A_206[%gather3A_218] in [0] : vector<16xf32>, vector<16xi32> -> vector<16xf32>
      %max3A_220 = arith.maximumf %max3A_206, %gather3A_219 : vector<16xf32>
      %xor3A_221 = arith.constant 4 : i32
      %xor3A_222 = vector.broadcast %xor3A_221 : i32 to vector<16xi32>
      %xor3A_223 = arith.xori %iota3A, %xor3A_222 : vector<16xi32>
      %lt3A_224 = arith.constant 0 : i32
      %lt3A_225 = vector.broadcast %lt3A_224 : i32 to vector<16xi32>
      %lt3A_226 = arith.cmpi slt, %xor3A_223, %lt3A_225 : vector<16xi32>
      %add3A_227 = arith.constant 16 : i32
      %add3A_228 = vector.broadcast %add3A_227 : i32 to vector<16xi32>
      %add3A_229 = arith.addi %xor3A_223, %add3A_228 : vector<16xi32>
      %select_n3A_230 = arith.select %lt3A_226, %add3A_229, %xor3A_223 : vector<16xi1>, vector<16xi32>
      %broadcast_in_dim3A_231 = vector.shape_cast %select_n3A_230 : vector<16xi32> to vector<16x1xi32>
      %gather3A_232 = vector.shape_cast %broadcast_in_dim3A_231 : vector<16x1xi32> to vector<16xi32>
      %gather3A_233 = tpu.dynamic_gather %max3A_220[%gather3A_232] in [0] : vector<16xf32>, vector<16xi32> -> vector<16xf32>
      %max3A_234 = arith.maximumf %max3A_220, %gather3A_233 : vector<16xf32>
      %xor3A_235 = arith.constant 8 : i32
      %xor3A_236 = vector.broadcast %xor3A_235 : i32 to vector<16xi32>
      %xor3A_237 = arith.xori %iota3A, %xor3A_236 : vector<16xi32>
      %lt3A_238 = arith.constant 0 : i32
      %lt3A_239 = vector.broadcast %lt3A_238 : i32 to vector<16xi32>
      %lt3A_240 = arith.cmpi slt, %xor3A_237, %lt3A_239 : vector<16xi32>
      %add3A_241 = arith.constant 16 : i32
      %add3A_242 = vector.broadcast %add3A_241 : i32 to vector<16xi32>
      %add3A_243 = arith.addi %xor3A_237, %add3A_242 : vector<16xi32>
      %select_n3A_244 = arith.select %lt3A_240, %add3A_243, %xor3A_237 : vector<16xi1>, vector<16xi32>
      %broadcast_in_dim3A_245 = vector.shape_cast %select_n3A_244 : vector<16xi32> to vector<16x1xi32>
      %gather3A_246 = vector.shape_cast %broadcast_in_dim3A_245 : vector<16x1xi32> to vector<16xi32>
      %gather3A_247 = tpu.dynamic_gather %max3A_234[%gather3A_246] in [0] : vector<16xf32>, vector<16xi32> -> vector<16xf32>
      %max3A_248 = arith.maximumf %max3A_234, %gather3A_247 : vector<16xf32>
      %eq3A_249 = arith.cmpf oeq, %gather3A_192, %max3A_248 : vector<16xf32>
      %jit3A_250 = arith.constant 1073741824 : i32
      %broadcast_in_dim3A_251 = vector.broadcast %jit3A_250 : i32 to vector<16xi32>
      %select_n3A_252 = arith.select %eq3A_249, %iota3A, %broadcast_in_dim3A_251 : vector<16xi1>, vector<16xi32>
      %xor3A_253 = arith.constant 1 : i32
      %xor3A_254 = vector.broadcast %xor3A_253 : i32 to vector<16xi32>
      %xor3A_255 = arith.xori %iota3A, %xor3A_254 : vector<16xi32>
      %lt3A_256 = arith.constant 0 : i32
      %lt3A_257 = vector.broadcast %lt3A_256 : i32 to vector<16xi32>
      %lt3A_258 = arith.cmpi slt, %xor3A_255, %lt3A_257 : vector<16xi32>
      %add3A_259 = arith.constant 16 : i32
      %add3A_260 = vector.broadcast %add3A_259 : i32 to vector<16xi32>
      %add3A_261 = arith.addi %xor3A_255, %add3A_260 : vector<16xi32>
      %select_n3A_262 = arith.select %lt3A_258, %add3A_261, %xor3A_255 : vector<16xi1>, vector<16xi32>
      %broadcast_in_dim3A_263 = vector.shape_cast %select_n3A_262 : vector<16xi32> to vector<16x1xi32>
      %gather3A_264 = vector.shape_cast %broadcast_in_dim3A_263 : vector<16x1xi32> to vector<16xi32>
      %gather3A_265 = tpu.dynamic_gather %select_n3A_252[%gather3A_264] in [0] : vector<16xi32>, vector<16xi32> -> vector<16xi32>
      %min3A_266 = arith.minsi %select_n3A_252, %gather3A_265 : vector<16xi32>
      %xor3A_267 = arith.constant 2 : i32
      %xor3A_268 = vector.broadcast %xor3A_267 : i32 to vector<16xi32>
      %xor3A_269 = arith.xori %iota3A, %xor3A_268 : vector<16xi32>
      %lt3A_270 = arith.constant 0 : i32
      %lt3A_271 = vector.broadcast %lt3A_270 : i32 to vector<16xi32>
      %lt3A_272 = arith.cmpi slt, %xor3A_269, %lt3A_271 : vector<16xi32>
      %add3A_273 = arith.constant 16 : i32
      %add3A_274 = vector.broadcast %add3A_273 : i32 to vector<16xi32>
      %add3A_275 = arith.addi %xor3A_269, %add3A_274 : vector<16xi32>
      %select_n3A_276 = arith.select %lt3A_272, %add3A_275, %xor3A_269 : vector<16xi1>, vector<16xi32>
      %broadcast_in_dim3A_277 = vector.shape_cast %select_n3A_276 : vector<16xi32> to vector<16x1xi32>
      %gather3A_278 = vector.shape_cast %broadcast_in_dim3A_277 : vector<16x1xi32> to vector<16xi32>
      %gather3A_279 = tpu.dynamic_gather %min3A_266[%gather3A_278] in [0] : vector<16xi32>, vector<16xi32> -> vector<16xi32>
      %min3A_280 = arith.minsi %min3A_266, %gather3A_279 : vector<16xi32>
      %xor3A_281 = arith.constant 4 : i32
      %xor3A_282 = vector.broadcast %xor3A_281 : i32 to vector<16xi32>
      %xor3A_283 = arith.xori %iota3A, %xor3A_282 : vector<16xi32>
      %lt3A_284 = arith.constant 0 : i32
      %lt3A_285 = vector.broadcast %lt3A_284 : i32 to vector<16xi32>
      %lt3A_286 = arith.cmpi slt, %xor3A_283, %lt3A_285 : vector<16xi32>
      %add3A_287 = arith.constant 16 : i32
      %add3A_288 = vector.broadcast %add3A_287 : i32 to vector<16xi32>
      %add3A_289 = arith.addi %xor3A_283, %add3A_288 : vector<16xi32>
      %select_n3A_290 = arith.select %lt3A_286, %add3A_289, %xor3A_283 : vector<16xi1>, vector<16xi32>
      %broadcast_in_dim3A_291 = vector.shape_cast %select_n3A_290 : vector<16xi32> to vector<16x1xi32>
      %gather3A_292 = vector.shape_cast %broadcast_in_dim3A_291 : vector<16x1xi32> to vector<16xi32>
      %gather3A_293 = tpu.dynamic_gather %min3A_280[%gather3A_292] in [0] : vector<16xi32>, vector<16xi32> -> vector<16xi32>
      %min3A_294 = arith.minsi %min3A_280, %gather3A_293 : vector<16xi32>
      %xor3A_295 = arith.constant 8 : i32
      %xor3A_296 = vector.broadcast %xor3A_295 : i32 to vector<16xi32>
      %xor3A_297 = arith.xori %iota3A, %xor3A_296 : vector<16xi32>
      %lt3A_298 = arith.constant 0 : i32
      %lt3A_299 = vector.broadcast %lt3A_298 : i32 to vector<16xi32>
      %lt3A_300 = arith.cmpi slt, %xor3A_297, %lt3A_299 : vector<16xi32>
      %add3A_301 = arith.constant 16 : i32
      %add3A_302 = vector.broadcast %add3A_301 : i32 to vector<16xi32>
      %add3A_303 = arith.addi %xor3A_297, %add3A_302 : vector<16xi32>
      %select_n3A_304 = arith.select %lt3A_300, %add3A_303, %xor3A_297 : vector<16xi1>, vector<16xi32>
      %broadcast_in_dim3A_305 = vector.shape_cast %select_n3A_304 : vector<16xi32> to vector<16x1xi32>
      %gather3A_306 = vector.shape_cast %broadcast_in_dim3A_305 : vector<16x1xi32> to vector<16xi32>
      %gather3A_307 = tpu.dynamic_gather %min3A_294[%gather3A_306] in [0] : vector<16xi32>, vector<16xi32> -> vector<16xi32>
      %min3A_308 = arith.minsi %min3A_294, %gather3A_307 : vector<16xi32>
      %add3A_309 = arith.constant 1 : i32
      %add3A_310 = vector.broadcast %add3A_309 : i32 to vector<16xi32>
      %add3A_311 = arith.addi %broadcast_in_dim3A_191, %add3A_310 : vector<16xi32>
      %gather3A_312 = tpu.vector_load_idx %arg11[%min3A_308, %add3A_311] : memref<16x16xf32, #tpu.memory_space<vmem>>[vector<16xi32>, vector<16xi32>], vector<16xf32>,
      %bitcast3A_313 = vector.bitcast %gather3A_312 : vector<16xf32> to vector<16xi32>
      %add3A_314 = arith.constant 2 : i32
      %add3A_315 = vector.broadcast %add3A_314 : i32 to vector<16xi32>
      %add3A_316 = arith.addi %broadcast_in_dim3A_191, %add3A_315 : vector<16xi32>
      %gather3A_317 = tpu.vector_load_idx %arg11[%min3A_308, %add3A_316] : memref<16x16xf32, #tpu.memory_space<vmem>>[vector<16xi32>, vector<16xi32>], vector<16xf32>,
      %add3A_318 = arith.constant 3 : i32
      %add3A_319 = vector.broadcast %add3A_318 : i32 to vector<16xi32>
      %add3A_320 = arith.addi %broadcast_in_dim3A_191, %add3A_319 : vector<16xi32>
      %gather3A_321 = tpu.vector_load_idx %arg11[%min3A_308, %add3A_320] : memref<16x16xf32, #tpu.memory_space<vmem>>[vector<16xi32>, vector<16xi32>], vector<16xf32>,
      %add3A_322 = arith.constant 4 : i32
      %add3A_323 = vector.broadcast %add3A_322 : i32 to vector<16xi32>
      %add3A_324 = arith.addi %broadcast_in_dim3A_191, %add3A_323 : vector<16xi32>
      %gather3A_325 = tpu.vector_load_idx %arg11[%min3A_308, %add3A_324] : memref<16x16xf32, #tpu.memory_space<vmem>>[vector<16xi32>, vector<16xi32>], vector<16xf32>,
      %add3A_326 = arith.constant 5 : i32
      %add3A_327 = vector.broadcast %add3A_326 : i32 to vector<16xi32>
      %add3A_328 = arith.addi %broadcast_in_dim3A_191, %add3A_327 : vector<16xi32>
      %gather3A_329 = tpu.vector_load_idx %arg11[%min3A_308, %add3A_328] : memref<16x16xf32, #tpu.memory_space<vmem>>[vector<16xi32>, vector<16xi32>], vector<16xf32>,
      %gt3A = arith.constant 0xFF800000 : f32
      %gt3A_330 = vector.broadcast %gt3A : f32 to vector<16xf32>
      %gt3A_331 = arith.cmpf ogt, %max3A_248, %gt3A_330 : vector<16xf32>
      %eq3A_332 = arith.constant 0 : i32
      %eq3A_333 = arith.cmpi eq, %arg1, %eq3A_332 : i32
      %convert_element_type3A_334 = arith.extui %eq3A_333 : i1 to i32
      %cond3A_335 = arith.constant 0 : i32
      %cond3A_336 = arith.cmpi ne, %convert_element_type3A_334, %cond3A_335 : i32
      scf.if %cond3A_336 {
        %jit3A_352 = arith.constant -1 : i32
        %broadcast_in_dim3A_353 = vector.broadcast %jit3A_352 : i32 to vector<16xi32>
        %select_n3A_354 = arith.select %gt3A_331, %bitcast3A_313, %broadcast_in_dim3A_353 : vector<16xi1>, vector<16xi32>
        %broadcast_in_dim3A_355 = vector.broadcast %scan3A_31 : i32 to vector<16xi32>
        %eq3A_356 = arith.constant 0 : i32
        %eq3A_357 = vector.broadcast %eq3A_356 : i32 to vector<16xi32>
        %eq3A_358 = arith.cmpi eq, %iota3A, %eq3A_357 : vector<16xi32>
        tpu.vector_store_idx %arg12[%broadcast_in_dim3A_355], %select_n3A_354 masked %eq3A_358 : memref<304xi32, #tpu.memory_space<vmem>>[vector<16xi32>], vector<16xi32>, vector<16xi1>
      } else {
      }
      %sub3A_337 = arith.subf %gather3A_325, %gather3A_317 : vector<16xf32>
      %max3A_338 = arith.constant 0.000000e+00 : f32
      %max3A_339 = vector.broadcast %max3A_338 : f32 to vector<16xf32>
      %max3A_340 = arith.maximumf %sub3A_337, %max3A_339 : vector<16xf32>
      %sub3A_341 = arith.subf %gather3A_329, %gather3A_321 : vector<16xf32>
      %max3A_342 = arith.constant 0.000000e+00 : f32
      %max3A_343 = vector.broadcast %max3A_342 : f32 to vector<16xf32>
      %max3A_344 = arith.maximumf %sub3A_341, %max3A_343 : vector<16xf32>
      %mul3A_345 = arith.mulf %max3A_340, %max3A_344 : vector<16xf32>
      %scan3A_346 = arith.constant 0 : i32
      %scan3A_347 = arith.constant 81 : i32
      %scan3A_348 = arith.addi %scan3A_346, %scan3A_347 : i32
      %scan3A_349 = arith.constant 1 : i32
      %scan3A_350:2 = scf.for %scan3A_352 = %scan3A_346 to %scan3A_348 step %scan3A_349 iter_args(%scan3A_353 = %broadcast_in_dim3A_1, %scan3A_354 = %broadcast_in_dim3A_3) -> (vector<16xf32>, vector<16xi32>)  : i32 {
        %mul3A_355 = arith.constant 16 : i32
        %mul3A_356 = arith.muli %scan3A_352, %mul3A_355 : i32
        %get3A = arith.index_cast %mul3A_356 : i32 to index
        %get3A_357 = tpu.vector_load %arg4[%get3A] {strides = array<i32>} : memref<1296xf32, #tpu.memory_space<vmem>>, vector<16xf32>,
        %get3A_358 = arith.index_cast %mul3A_356 : i32 to index
        %get3A_359 = tpu.vector_load %arg5[%get3A_358] {strides = array<i32>} : memref<1296xf32, #tpu.memory_space<vmem>>, vector<16xf32>,
        %get3A_360 = arith.index_cast %mul3A_356 : i32 to index
        %get3A_361 = tpu.vector_load %arg6[%get3A_360] {strides = array<i32>} : memref<1296xf32, #tpu.memory_space<vmem>>, vector<16xf32>,
        %get3A_362 = arith.index_cast %mul3A_356 : i32 to index
        %get3A_363 = tpu.vector_load %arg7[%get3A_362] {strides = array<i32>} : memref<1296xf32, #tpu.memory_space<vmem>>, vector<16xf32>,
        %get3A_364 = arith.index_cast %mul3A_356 : i32 to index
        %get3A_365 = tpu.vector_load %arg8[%get3A_364] {strides = array<i32>} : memref<1296xf32, #tpu.memory_space<vmem>>, vector<16xf32>,
        %get3A_366 = arith.index_cast %mul3A_356 : i32 to index
        %get3A_367 = tpu.vector_load %arg9[%get3A_366] {strides = array<i32>} : memref<1296xf32, #tpu.memory_space<vmem>>, vector<16xf32>,
        %mul3A_368 = arith.constant 16 : i32
        %mul3A_369 = arith.muli %scan3A_352, %mul3A_368 : i32
        %add3A_370 = arith.addi %mul3A_0, %mul3A_369 : i32
        %add3A_371 = vector.broadcast %add3A_370 : i32 to vector<16xi32>
        %add3A_372 = arith.addi %add3A_371, %iota3A : vector<16xi32>
        %max3A_373 = arith.maximumf %gather3A_317, %get3A_357 : vector<16xf32>
        %max3A_374 = arith.maximumf %gather3A_321, %get3A_359 : vector<16xf32>
        %min3A_375 = arith.minimumf %gather3A_325, %get3A_361 : vector<16xf32>
        %min3A_376 = arith.minimumf %gather3A_329, %get3A_363 : vector<16xf32>
        %sub3A_377 = arith.subf %min3A_375, %max3A_373 : vector<16xf32>
        %max3A_378 = arith.constant 0.000000e+00 : f32
        %max3A_379 = vector.broadcast %max3A_378 : f32 to vector<16xf32>
        %max3A_380 = arith.maximumf %sub3A_377, %max3A_379 : vector<16xf32>
        %sub3A_381 = arith.subf %min3A_376, %max3A_374 : vector<16xf32>
        %max3A_382 = arith.constant 0.000000e+00 : f32
        %max3A_383 = vector.broadcast %max3A_382 : f32 to vector<16xf32>
        %max3A_384 = arith.maximumf %sub3A_381, %max3A_383 : vector<16xf32>
        %mul3A_385 = arith.mulf %max3A_380, %max3A_384 : vector<16xf32>
        %add3A_386 = arith.addf %mul3A_345, %get3A_365 : vector<16xf32>
        %sub3A_387 = arith.subf %add3A_386, %mul3A_385 : vector<16xf32>
        %gt3A_388 = arith.constant 0.000000e+00 : f32
        %gt3A_389 = vector.broadcast %gt3A_388 : f32 to vector<16xf32>
        %gt3A_390 = arith.cmpf ogt, %sub3A_387, %gt3A_389 : vector<16xf32>
        %div3A = arith.divf %mul3A_385, %sub3A_387 : vector<16xf32>
        %jit3A_391 = arith.constant 0.000000e+00 : f32
        %broadcast_in_dim3A_392 = vector.broadcast %jit3A_391 : f32 to vector<16xf32>
        %select_n3A_393 = arith.select %gt3A_390, %div3A, %broadcast_in_dim3A_392 : vector<16xi1>, vector<16xf32>
        %gt3A_394 = arith.constant 0.699999988 : f32
        %gt3A_395 = vector.broadcast %gt3A_394 : f32 to vector<16xf32>
        %gt3A_396 = arith.cmpf ogt, %select_n3A_393, %gt3A_395 : vector<16xf32>
        %eq3A_397 = arith.cmpi eq, %add3A_372, %bitcast3A_313 : vector<16xi32>
        %or3A = arith.ori %gt3A_396, %eq3A_397 : vector<16xi1>
        %and3A_398 = arith.andi %or3A, %gt3A_331 : vector<16xi1>
        %jit3A_399 = arith.constant 0xFF800000 : f32
        %broadcast_in_dim3A_400 = vector.broadcast %jit3A_399 : f32 to vector<16xf32>
        %select_n3A_401 = arith.select %and3A_398, %broadcast_in_dim3A_400, %get3A_367 : vector<16xi1>, vector<16xf32>
        %swap3A_402 = arith.index_cast %mul3A_356 : i32 to index
        %swap3A_403 = tpu.vector_load %arg9[%swap3A_402] {strides = array<i32>} : memref<1296xf32, #tpu.memory_space<vmem>>, vector<16xf32>,
        tpu.vector_store %arg9[%swap3A_402], %select_n3A_401 {strides = array<i32>} : memref<1296xf32, #tpu.memory_space<vmem>>, vector<16xf32>,
        %gt3A_404 = arith.cmpf ogt, %select_n3A_401, %scan3A_353 : vector<16xf32>
        %select_n3A_405 = arith.select %gt3A_404, %select_n3A_401, %scan3A_353 : vector<16xi1>, vector<16xf32>
        %select_n3A_406 = arith.select %gt3A_404, %add3A_372, %scan3A_354 : vector<16xi1>, vector<16xi32>
        scf.yield %select_n3A_405, %select_n3A_406 : vector<16xf32>, vector<16xi32>
      }
      %scan3A_351 = arith.constant 81 : i32
      scf.yield %scan3A_350#0, %scan3A_350#1 : vector<16xf32>, vector<16xi32>
    }
    %scan3A_25 = arith.constant 300 : i32
    %eq3A_26 = arith.constant 0 : i32
    %eq3A_27 = arith.cmpi eq, %arg1, %eq3A_26 : i32
    %convert_element_type3A_28 = arith.extui %eq3A_27 : i1 to i32
    %cond3A_29 = arith.constant 0 : i32
    %cond3A_30 = arith.cmpi ne, %convert_element_type3A_28, %cond3A_29 : i32
    scf.if %cond3A_30 {
      "tpu.region"() ({
        %run_scoped3A = tpu.sem_alloc : memref<!tpu.dma_semaphore, #tpu.memory_space<semaphore_mem>>
        tpu.enqueue_dma source(%arg12 : memref<304xi32, #tpu.memory_space<vmem>>) target(%arg3 : memref<304xi32, #tpu.memory_space<hbm>>) target_semaphore(%run_scoped3A : memref<!tpu.dma_semaphore, #tpu.memory_space<semaphore_mem>>)
        tpu.wait_dma2 semaphore(%run_scoped3A : memref<!tpu.dma_semaphore, #tpu.memory_space<semaphore_mem>>) src(%arg12 : memref<304xi32, #tpu.memory_space<vmem>>) dst(%arg3 : memref<304xi32, #tpu.memory_space<hbm>>)
        tpu.yield
      }) : () -> ()
      "tpu.region"() ({
        %run_scoped3A = tpu.sem_alloc : memref<!tpu.dma_semaphore, #tpu.memory_space<semaphore_mem>>
        tpu.enqueue_dma source(%arg12 : memref<304xi32, #tpu.memory_space<vmem>>) target(%arg3 : memref<304xi32, #tpu.memory_space<hbm>>) target_semaphore(%run_scoped3A : memref<!tpu.dma_semaphore, #tpu.memory_space<semaphore_mem>>)
        tpu.wait_dma2 semaphore(%run_scoped3A : memref<!tpu.dma_semaphore, #tpu.memory_space<semaphore_mem>>) src(%arg12 : memref<304xi32, #tpu.memory_space<vmem>>) dst(%arg3 : memref<304xi32, #tpu.memory_space<hbm>>)
        tpu.yield
      }) : () -> ()
    } else {
    }
    return
  }
}

module attributes {stable_mosaic.version = 14 : i64} {
  func.func @_head_body(%arg0: memref<2304x512xf32, #tpu.memory_space<vmem>>, %arg1: memref<512x18xf32, #tpu.memory_space<vmem>>, %arg2: memref<1x18xf32, #tpu.memory_space<vmem>>, %arg3: memref<512x36xf32, #tpu.memory_space<vmem>>, %arg4: memref<1x36xf32, #tpu.memory_space<vmem>>, %arg5: memref<2304x18xf32, #tpu.memory_space<vmem>>, %arg6: memref<2304x36xf32, #tpu.memory_space<vmem>>) attributes {dimension_semantics = [], scalar_prefetch = 0 : i64, scratch_operands = 0 : i64, tpu.core_type = #tpu.core_type<tc>} {
    %get3A = arith.constant 0 : index
    %get3A_0 = arith.constant 0 : index
    %get3A_1 = vector.load %arg0[%get3A, %get3A_0] : memref<2304x512xf32, #tpu.memory_space<vmem>>, vector<2304x512xf32>
    %get3A_2 = arith.constant 0 : index
    %get3A_3 = arith.constant 0 : index
    %get3A_4 = vector.load %arg1[%get3A_2, %get3A_3] : memref<512x18xf32, #tpu.memory_space<vmem>>, vector<512x18xf32>
    %dot_general3A = arith.constant dense<0.000000e+00> : vector<2304x18xf32>
    %dot_general3A_5 = tpu.matmul %get3A_1, %get3A_4, %dot_general3A {dimension_numbers = #tpu.dot_dimension_numbers<[1], [0], [0], [1], [0, 0, 1, 1], [], []>, transpose_lhs_hint = false} : vector<2304x512xf32>, vector<512x18xf32>, vector<2304x18xf32> -> vector<2304x18xf32>
    %get3A_6 = arith.constant 0 : index
    %get3A_7 = arith.constant 0 : index
    %get3A_8 = vector.load %arg2[%get3A_6, %get3A_7] : memref<1x18xf32, #tpu.memory_space<vmem>>, vector<1x18xf32>
    %add3A = vector.broadcast %get3A_8 : vector<1x18xf32> to vector<2304x18xf32>
    %add3A_9 = arith.addf %dot_general3A_5, %add3A : vector<2304x18xf32>
    %slice3A = vector.extract_strided_slice %add3A_9 {offsets = [0, 1], sizes = [2304, 17], strides = [1, 1]} : vector<2304x18xf32> to vector<2304x17xf32>
    %slice3A_10 = vector.extract_strided_slice %add3A_9 {offsets = [0, 0], sizes = [2304, 1], strides = [1, 1]} : vector<2304x18xf32> to vector<2304x1xf32>
    %concatenate3A = tpu.concatenate %slice3A, %slice3A_10 in 1 : vector<2304x17xf32>, vector<2304x1xf32> -> vector<2304x18xf32>
    %slice3A_11 = vector.extract_strided_slice %add3A_9 {offsets = [0, 17], sizes = [2304, 1], strides = [1, 1]} : vector<2304x18xf32> to vector<2304x1xf32>
    %slice3A_12 = vector.extract_strided_slice %add3A_9 {offsets = [0, 0], sizes = [2304, 17], strides = [1, 1]} : vector<2304x18xf32> to vector<2304x17xf32>
    %concatenate3A_13 = tpu.concatenate %slice3A_11, %slice3A_12 in 1 : vector<2304x1xf32>, vector<2304x17xf32> -> vector<2304x18xf32>
    %iota3A = tpu.iota {dimensions = array<i32: 1>} : vector<2304x18xi32>
    %jit3A = arith.constant 2 : i32
    %eq3A = arith.constant 0 : i32
    %eq3A_14 = arith.cmpi eq, %jit3A, %eq3A : i32
    %jit3A_15 = arith.constant 1 : i32
    %select_n3A = arith.select %eq3A_14, %jit3A_15, %jit3A : i32
    %rem3A = vector.broadcast %select_n3A : i32 to vector<2304x18xi32>
    %rem3A_16 = arith.remsi %iota3A, %rem3A : vector<2304x18xi32>
    %ne3A = arith.constant 0 : i32
    %ne3A_17 = vector.broadcast %ne3A : i32 to vector<2304x18xi32>
    %ne3A_18 = arith.cmpi ne, %rem3A_16, %ne3A_17 : vector<2304x18xi32>
    %lt3A = arith.constant 0 : i32
    %lt3A_19 = vector.broadcast %lt3A : i32 to vector<2304x18xi32>
    %lt3A_20 = arith.cmpi slt, %rem3A_16, %lt3A_19 : vector<2304x18xi32>
    %lt3A_21 = arith.constant 0 : i32
    %lt3A_22 = arith.cmpi slt, %select_n3A, %lt3A_21 : i32
    %ne3A_23 = vector.broadcast %lt3A_22 : i1 to vector<2304x18xi1>
    %ne3A_24 = vector.broadcast %ne3A_23 : vector<2304x18xi1> to vector<2304x18xi1>
    %ne3A_25 = arith.xori %lt3A_20, %ne3A_24 : vector<2304x18xi1>
    %and3A = arith.andi %ne3A_25, %ne3A_18 : vector<2304x18xi1>
    %add3A_26 = vector.broadcast %select_n3A : i32 to vector<2304x18xi32>
    %add3A_27 = arith.addi %rem3A_16, %add3A_26 : vector<2304x18xi32>
    %select_n3A_28 = arith.select %and3A, %add3A_27, %rem3A_16 : vector<2304x18xi1>, vector<2304x18xi32>
    %eq3A_29 = arith.constant 0 : i32
    %eq3A_30 = vector.broadcast %eq3A_29 : i32 to vector<2304x18xi32>
    %eq3A_31 = arith.cmpi eq, %select_n3A_28, %eq3A_30 : vector<2304x18xi32>
    %select_n3A_32 = arith.select %eq3A_31, %concatenate3A, %concatenate3A_13 : vector<2304x18xi1>, vector<2304x18xf32>
    %max3A = arith.maximumf %add3A_9, %select_n3A_32 : vector<2304x18xf32>
    %sub3A = arith.subf %add3A_9, %max3A : vector<2304x18xf32>
    %exp3A = math.exp %sub3A : vector<2304x18xf32>
    %sub3A_33 = arith.subf %select_n3A_32, %max3A : vector<2304x18xf32>
    %exp3A_34 = math.exp %sub3A_33 : vector<2304x18xf32>
    %add3A_35 = arith.addf %exp3A, %exp3A_34 : vector<2304x18xf32>
    %div3A = arith.divf %exp3A, %add3A_35 : vector<2304x18xf32>
    %swap3A = arith.constant 0 : index
    %swap3A_36 = arith.constant 0 : index
    %swap3A_37 = vector.load %arg5[%swap3A, %swap3A_36] : memref<2304x18xf32, #tpu.memory_space<vmem>>, vector<2304x18xf32>
    tpu.vector_store %arg5[%swap3A, %swap3A_36], %div3A {strides = array<i32>} : memref<2304x18xf32, #tpu.memory_space<vmem>>, vector<2304x18xf32>,
    %get3A_38 = arith.constant 0 : index
    %get3A_39 = arith.constant 0 : index
    %get3A_40 = vector.load %arg3[%get3A_38, %get3A_39] : memref<512x36xf32, #tpu.memory_space<vmem>>, vector<512x36xf32>
    %dot_general3A_41 = arith.constant dense<0.000000e+00> : vector<2304x36xf32>
    %dot_general3A_42 = tpu.matmul %get3A_1, %get3A_40, %dot_general3A_41 {dimension_numbers = #tpu.dot_dimension_numbers<[1], [0], [0], [1], [0, 0, 1, 1], [], []>, transpose_lhs_hint = false} : vector<2304x512xf32>, vector<512x36xf32>, vector<2304x36xf32> -> vector<2304x36xf32>
    %get3A_43 = arith.constant 0 : index
    %get3A_44 = arith.constant 0 : index
    %get3A_45 = vector.load %arg4[%get3A_43, %get3A_44] : memref<1x36xf32, #tpu.memory_space<vmem>>, vector<1x36xf32>
    %add3A_46 = vector.broadcast %get3A_45 : vector<1x36xf32> to vector<2304x36xf32>
    %add3A_47 = arith.addf %dot_general3A_42, %add3A_46 : vector<2304x36xf32>
    %swap3A_48 = arith.constant 0 : index
    %swap3A_49 = arith.constant 0 : index
    %swap3A_50 = vector.load %arg6[%swap3A_48, %swap3A_49] : memref<2304x36xf32, #tpu.memory_space<vmem>>, vector<2304x36xf32>
    tpu.vector_store %arg6[%swap3A_48, %swap3A_49], %add3A_47 {strides = array<i32>} : memref<2304x36xf32, #tpu.memory_space<vmem>>, vector<2304x36xf32>,
    return
  }
}

module attributes {stable_mosaic.version = 14 : i64} {
  func.func @_decode_body(%arg0: memref<4x162x128xf32, #tpu.memory_space<vmem>>, %arg1: memref<3x162x128xf32, #tpu.memory_space<vmem>>, %arg2: memref<2xf32, #tpu.memory_space<smem>>, %arg3: memref<162x128xf32, #tpu.memory_space<vmem>>, %arg4: memref<162x128xf32, #tpu.memory_space<vmem>>, %arg5: memref<162x128xf32, #tpu.memory_space<vmem>>, %arg6: memref<162x128xf32, #tpu.memory_space<vmem>>) attributes {dimension_semantics = [], scalar_prefetch = 0 : i64, scratch_operands = 0 : i64, tpu.core_type = #tpu.core_type<tc>} {
    %get3A = arith.constant 0 : index
    %get3A_0 = arith.constant 0 : index
    %get3A_1 = arith.constant 0 : index
    %get3A_2 = vector.load %arg0[%get3A, %get3A_0, %get3A_1] : memref<4x162x128xf32, #tpu.memory_space<vmem>>, vector<1x162x128xf32>
    %get3A_3 = vector.shape_cast %get3A_2 : vector<1x162x128xf32> to vector<162x128xf32>
    %get3A_4 = arith.constant 1 : index
    %get3A_5 = arith.constant 0 : index
    %get3A_6 = arith.constant 0 : index
    %get3A_7 = vector.load %arg0[%get3A_4, %get3A_5, %get3A_6] : memref<4x162x128xf32, #tpu.memory_space<vmem>>, vector<1x162x128xf32>
    %get3A_8 = vector.shape_cast %get3A_7 : vector<1x162x128xf32> to vector<162x128xf32>
    %get3A_9 = arith.constant 2 : index
    %get3A_10 = arith.constant 0 : index
    %get3A_11 = arith.constant 0 : index
    %get3A_12 = vector.load %arg0[%get3A_9, %get3A_10, %get3A_11] : memref<4x162x128xf32, #tpu.memory_space<vmem>>, vector<1x162x128xf32>
    %get3A_13 = vector.shape_cast %get3A_12 : vector<1x162x128xf32> to vector<162x128xf32>
    %get3A_14 = arith.constant 3 : index
    %get3A_15 = arith.constant 0 : index
    %get3A_16 = arith.constant 0 : index
    %get3A_17 = vector.load %arg0[%get3A_14, %get3A_15, %get3A_16] : memref<4x162x128xf32, #tpu.memory_space<vmem>>, vector<1x162x128xf32>
    %get3A_18 = vector.shape_cast %get3A_17 : vector<1x162x128xf32> to vector<162x128xf32>
    %get3A_19 = arith.constant 0 : index
    %get3A_20 = arith.constant 0 : index
    %get3A_21 = arith.constant 0 : index
    %get3A_22 = vector.load %arg1[%get3A_19, %get3A_20, %get3A_21] : memref<3x162x128xf32, #tpu.memory_space<vmem>>, vector<1x162x128xf32>
    %get3A_23 = vector.shape_cast %get3A_22 : vector<1x162x128xf32> to vector<162x128xf32>
    %get3A_24 = arith.constant 1 : index
    %get3A_25 = arith.constant 0 : index
    %get3A_26 = arith.constant 0 : index
    %get3A_27 = vector.load %arg1[%get3A_24, %get3A_25, %get3A_26] : memref<3x162x128xf32, #tpu.memory_space<vmem>>, vector<1x162x128xf32>
    %get3A_28 = vector.shape_cast %get3A_27 : vector<1x162x128xf32> to vector<162x128xf32>
    %get3A_29 = arith.constant 2 : index
    %get3A_30 = arith.constant 0 : index
    %get3A_31 = arith.constant 0 : index
    %get3A_32 = vector.load %arg1[%get3A_29, %get3A_30, %get3A_31] : memref<3x162x128xf32, #tpu.memory_space<vmem>>, vector<1x162x128xf32>
    %get3A_33 = vector.shape_cast %get3A_32 : vector<1x162x128xf32> to vector<162x128xf32>
    %sub3A = arith.subf %get3A_18, %get3A_8 : vector<162x128xf32>
    %add3A = arith.constant 1.000000e+00 : f32
    %add3A_34 = vector.broadcast %add3A : f32 to vector<162x128xf32>
    %add3A_35 = arith.addf %sub3A, %add3A_34 : vector<162x128xf32>
    %sub3A_36 = arith.subf %get3A_13, %get3A_3 : vector<162x128xf32>
    %add3A_37 = arith.constant 1.000000e+00 : f32
    %add3A_38 = vector.broadcast %add3A_37 : f32 to vector<162x128xf32>
    %add3A_39 = arith.addf %sub3A_36, %add3A_38 : vector<162x128xf32>
    %mul3A = arith.constant 5.000000e-01 : f32
    %mul3A_40 = vector.broadcast %mul3A : f32 to vector<162x128xf32>
    %mul3A_41 = arith.mulf %mul3A_40, %add3A_39 : vector<162x128xf32>
    %add3A_42 = arith.addf %get3A_3, %mul3A_41 : vector<162x128xf32>
    %mul3A_43 = arith.constant 5.000000e-01 : f32
    %mul3A_44 = vector.broadcast %mul3A_43 : f32 to vector<162x128xf32>
    %mul3A_45 = arith.mulf %mul3A_44, %add3A_35 : vector<162x128xf32>
    %add3A_46 = arith.addf %get3A_8, %mul3A_45 : vector<162x128xf32>
    %mul3A_47 = arith.mulf %get3A_23, %add3A_39 : vector<162x128xf32>
    %add3A_48 = arith.addf %mul3A_47, %add3A_42 : vector<162x128xf32>
    %mul3A_49 = arith.mulf %get3A_28, %add3A_35 : vector<162x128xf32>
    %add3A_50 = arith.addf %mul3A_49, %add3A_46 : vector<162x128xf32>
    %exp3A = math.exp %get3A_33 : vector<162x128xf32>
    %mul3A_51 = arith.mulf %exp3A, %add3A_39 : vector<162x128xf32>
    %mul3A_52 = arith.constant 5.000000e-01 : f32
    %mul3A_53 = vector.broadcast %mul3A_52 : f32 to vector<162x128xf32>
    %mul3A_54 = arith.mulf %mul3A_53, %mul3A_51 : vector<162x128xf32>
    %sub3A_55 = arith.subf %add3A_48, %mul3A_54 : vector<162x128xf32>
    %mul3A_56 = arith.constant 5.000000e-01 : f32
    %mul3A_57 = vector.broadcast %mul3A_56 : f32 to vector<162x128xf32>
    %mul3A_58 = arith.mulf %mul3A_57, %mul3A_51 : vector<162x128xf32>
    %add3A_59 = arith.addf %add3A_48, %mul3A_58 : vector<162x128xf32>
    %mul3A_60 = arith.constant 5.000000e-01 : f32
    %mul3A_61 = vector.broadcast %mul3A_60 : f32 to vector<162x128xf32>
    %mul3A_62 = arith.mulf %mul3A_61, %add3A_50 : vector<162x128xf32>
    %sub3A_63 = arith.subf %add3A_50, %mul3A_62 : vector<162x128xf32>
    %mul3A_64 = arith.constant 5.000000e-01 : f32
    %mul3A_65 = vector.broadcast %mul3A_64 : f32 to vector<162x128xf32>
    %mul3A_66 = arith.mulf %mul3A_65, %add3A_50 : vector<162x128xf32>
    %add3A_67 = arith.addf %add3A_50, %mul3A_66 : vector<162x128xf32>
    %max3A = arith.constant 0.000000e+00 : f32
    %max3A_68 = vector.broadcast %max3A : f32 to vector<162x128xf32>
    %max3A_69 = arith.maximumf %sub3A_55, %max3A_68 : vector<162x128xf32>
    %swap3A = arith.constant 0 : index
    %swap3A_70 = arith.constant 0 : index
    %swap3A_71 = vector.load %arg3[%swap3A, %swap3A_70] : memref<162x128xf32, #tpu.memory_space<vmem>>, vector<162x128xf32>
    tpu.vector_store %arg3[%swap3A, %swap3A_70], %max3A_69 {strides = array<i32>} : memref<162x128xf32, #tpu.memory_space<vmem>>, vector<162x128xf32>,
    %get3A_72 = arith.constant 0 : index
    %get3A_73 = memref.load %arg2[%get3A_72] : memref<2xf32, #tpu.memory_space<smem>>
    %min3A = vector.broadcast %get3A_73 : f32 to vector<162x128xf32>
    %min3A_74 = arith.minimumf %add3A_59, %min3A : vector<162x128xf32>
    %swap3A_75 = arith.constant 0 : index
    %swap3A_76 = arith.constant 0 : index
    %swap3A_77 = vector.load %arg5[%swap3A_75, %swap3A_76] : memref<162x128xf32, #tpu.memory_space<vmem>>, vector<162x128xf32>
    tpu.vector_store %arg5[%swap3A_75, %swap3A_76], %min3A_74 {strides = array<i32>} : memref<162x128xf32, #tpu.memory_space<vmem>>, vector<162x128xf32>,
    %max3A_78 = arith.constant 0.000000e+00 : f32
    %max3A_79 = vector.broadcast %max3A_78 : f32 to vector<162x128xf32>
    %max3A_80 = arith.maximumf %sub3A_63, %max3A_79 : vector<162x128xf32>
    %swap3A_81 = arith.constant 0 : index
    %swap3A_82 = arith.constant 0 : index
    %swap3A_83 = vector.load %arg4[%swap3A_81, %swap3A_82] : memref<162x128xf32, #tpu.memory_space<vmem>>, vector<162x128xf32>
    tpu.vector_store %arg4[%swap3A_81, %swap3A_82], %max3A_80 {strides = array<i32>} : memref<162x128xf32, #tpu.memory_space<vmem>>, vector<162x128xf32>,
    %get3A_84 = arith.constant 1 : index
    %get3A_85 = memref.load %arg2[%get3A_84] : memref<2xf32, #tpu.memory_space<smem>>
    %min3A_86 = vector.broadcast %get3A_85 : f32 to vector<162x128xf32>
    %min3A_87 = arith.minimumf %add3A_67, %min3A_86 : vector<162x128xf32>
    %swap3A_88 = arith.constant 0 : index
    %swap3A_89 = arith.constant 0 : index
    %swap3A_90 = vector.load %arg6[%swap3A_88, %swap3A_89] : memref<162x128xf32, #tpu.memory_space<vmem>>, vector<162x128xf32>
    tpu.vector_store %arg6[%swap3A_88, %swap3A_89], %min3A_87 {strides = array<i32>} : memref<162x128xf32, #tpu.memory_space<vmem>>, vector<162x128xf32>,
    return
  }
}

</mosaic_0001>

<sc_bundles>
// kernel: kernel.5.cloned.1.call-start
scs
__scs_entry_jumppad:
0x0: {  	(pc) =	sbr.rel $0x88, $3  }
0x1: {  	(tag) =	ssettag $0x0;
	lr =	simm.s32 $0x1  }
0x2: {  	[smem:$0x3F9A] =	sst lr;
	_ =	strace $0xD0000000  }
0x3: {  	_ = 	snop  }
0x4: {  	_ = 	snop  }
0x5: {  	_ = 	snop  }
0x6: {  	_ = 	snop  }
0x7: {  	_ = 	snop  }
__scs_overlays_trampoline_lowered:
0x8: {  	[smem:$0x3FA9] =	sst s0  }
0x9: {  	[smem:$0x3FAA] =	sst s1  }
0xa: {  	[smem:$0x3FAB] =	sst s2  }
0xb: {  	[smem:$0x3FAC] =	sst s3  }
0xc: {  	[smem:$0x3FAD] =	sst s4  }
0xd: {  	[smem:$0x3FAE] =	sst s5  }
0xe: {  	[smem:$0x3FAF] =	sst s6  }
0xf: {  	[smem:$0x3FB0] =	sst s7  }
0x10: {  	[smem:$0x3FB1] =	sst s8  }
0x11: {  	[smem:$0x3FB2] =	sst s9;
	s0 =	simm.s32 @!p0 $0x0  }
0x12: {  	s1 =	sld [smem:$0x3F98];
	s0 =	simm.s32 @p0 $0x1  }
0x13: {  	[smem:$0x3FB3] =	sst s0;
	s0 =	simm.s32 @!p1 $0x0  }
0x14: {  	s2 =	sld [smem:$0x3F97];
	s0 =	simm.s32 @p1 $0x1  }
0x15: {  	[smem:$0x3FB4] =	sst s0;
	s0 =	simm.s32 @!p2 $0x0  }
0x16: {  	s3 =	sld [smem:$0x3FDB];
	s0 =	simm.s32 @p2 $0x1  }
0x17: {  	s4 =	simm.s32 $0x1BF5;
	[smem:$0x3FB6] =	sst s0  }
0x18: {  	s0 =	sld [smem:$0x3F99];
	_ =	swait.ge [sflag:s4], $0x0  }
0x19: {  	s7 =	sld [smem:$0x3F9A]  }
0x1a: {  	s8 =	sadd.s32 $0xFFFFE003, lr  }
0x1b: {  	s9 =	sadd.s32 $0xFFFFFEF7, lr;
	s5 =	simm.s32 $0xFFFFFFFF;
	p2 =	slt.u32 s8, $0xFFFFF086  }
0x1c: {  	p1 =	slt.u32 s9, $0xF7A;
	s5 =	simm.s32 @!p2 $0x0  }
0x1d: {  	s5 =	simm.s32 @p1 $0x1;
	p0 =	seq.s32 s7, s2  }
0x1e: {  	s7 =	smul.u32 @!p0 $0xF7A, s2;
	p2 =	seq.s32 @!p0 s5, $0x0  }
0x1f: {  	s9 =	smul.u32 $0xF7A, s1;
	s8 =	simm.s32 @!p0 $0x1BF5;
	p2 =	por !p2, p0  }
0x20: {  	[sflag:s8] =	ssyncset.s32 @!p0 $0xFFFFF086;
	s6 =	sadd.s32 @!p0 s3, s7;
	s7 =	simm.s32 @!p0 $0x108  }
0x21: {  	s3 =	sadd.s32 s3, s9;
	s6 =	sadd.s32 @!p0 $0x88, s6;
	s7 =	simm.s32 @p2 $0x1082  }
0x22: {  	[simem:s7], [sflag:s8] =	dma.local @!p0 [hbm:s6], $0xF7A  }
0x23: {  	s9 =	sor.u32 $0xD0000000, s2;
	s6 =	simm.s32 $0x108;
	_ =	swait.ge @!p0 [sflag:s8], $0x0  }
0x24: {  	s3 =	sadd.s32 $0x88, s3;
	s6 =	simm.s32 @!p1 $0x1082;
	[sflag:s4] =	ssyncset.s32 $0xFFFFF086  }
0x25: {  	[simem:s6], [sflag:s4] =	dma.local [hbm:s3], $0xF7A  }
0x26: {  	[smem:$0x3F9A] =	sst s1;
	(tag) =	ssettag s2;
	_ =	strace s9  }
0x27: {  	s1 =	sld [smem:$0x3FAA]  }
0x28: {  	s2 =	sld [smem:$0x3FAB]  }
0x29: {  	s4 =	sld [smem:$0x3FAD]  }
0x2a: {  	p0 =	seq.s32 s5, $0x0;
	s5 =	sld [smem:$0x3FAE]  }
0x2b: {  	s6 =	sld [smem:$0x3FAF]  }
0x2c: {  	s7 =	sld [smem:$0x3FB0]  }
0x2d: {  	s3 =	simm.s32 $0x108;
	s8 =	sld [smem:$0x3FB1]  }
0x2e: {  	s3 =	simm.s32 @!p0 $0x1082;
	s9 =	sld [smem:$0x3FB2]  }
0x2f: {  	lr =	sadd.s32 s0, s3;
	s0 =	sld [smem:$0x3FA9]  }
0x30: {  	s3 =	sld [smem:$0x3FAC]  }
0x31: {  	[smem:$0x3FB5] =	sst s10  }
0x32: {  	s10 =	sld [smem:$0x3FB3];
	_ =	sdelay $0x3  }
0x33: {  	p0 =	seq.s32 s10, $0x1;
	s10 =	sld [smem:$0x3FB5];
	_ =	sdelay $0x3  }
0x34: {  	[smem:$0x3FB5] =	sst s10  }
0x35: {  	s10 =	sld [smem:$0x3FB4];
	_ =	sdelay $0x3  }
0x36: {  	p1 =	seq.s32 s10, $0x1;
	s10 =	sld [smem:$0x3FB5];
	_ =	sdelay $0x3  }
0x37: {  	[smem:$0x3FB5] =	sst s10  }
0x38: {  	s10 =	sld [smem:$0x3FB6]  }
0x39: {  	_ = 	snop;
	(pc) =	sbr.ind lr, $3  }
0x3a: {  	_ = 	snop  }
0x3b: {  	_ = 	snop  }
0x3c: {  	p2 =	seq.s32 s10, $0x1;
	s10 =	sld [smem:$0x3FB5]  }
0x3d: {  	_ =	shalt  }
0x3e: {  	_ =	shalt  }
0x3f: {  	_ =	shalt  }
0x40: {  	_ =	shalt  }
0x41: {  	_ =	shalt  }
0x42: {  	_ =	shalt  }
0x43: {  	_ =	shalt  }
0x44: {  	_ =	shalt  }
0x45: {  	_ =	shalt  }
0x46: {  	_ =	shalt  }
0x47: {  	_ =	shalt  }
0x48: {  	_ =	shalt  }
0x49: {  	_ =	shalt  }
0x4a: {  	_ =	shalt  }
0x4b: {  	_ =	shalt  }
0x4c: {  	_ =	shalt  }
0x4d: {  	_ =	shalt  }
0x4e: {  	_ =	shalt  }
0x4f: {  	_ =	shalt  }
0x50: {  	_ =	shalt  }
0x51: {  	_ =	shalt  }
0x52: {  	_ =	shalt  }
0x53: {  	_ =	shalt  }
0x54: {  	_ =	shalt  }
0x55: {  	_ =	shalt  }
0x56: {  	_ =	shalt  }
0x57: {  	_ =	shalt  }
0x58: {  	_ =	shalt  }
0x59: {  	_ =	shalt  }
0x5a: {  	_ =	shalt  }
0x5b: {  	_ =	shalt  }
0x5c: {  	_ =	shalt  }
0x5d: {  	_ =	shalt  }
0x5e: {  	_ =	shalt  }
0x5f: {  	_ =	shalt  }
0x60: {  	_ =	shalt  }
0x61: {  	_ =	shalt  }
0x62: {  	_ =	shalt  }
0x63: {  	_ =	shalt  }
0x64: {  	_ =	shalt  }
0x65: {  	_ =	shalt  }
0x66: {  	_ =	shalt  }
0x67: {  	_ =	shalt  }
0x68: {  	_ =	shalt  }
0x69: {  	_ =	shalt  }
0x6a: {  	_ =	shalt  }
0x6b: {  	_ =	shalt  }
0x6c: {  	_ =	shalt  }
0x6d: {  	_ =	shalt  }
0x6e: {  	_ =	shalt  }
0x6f: {  	_ =	shalt  }
0x70: {  	_ =	shalt  }
0x71: {  	_ =	shalt  }
0x72: {  	_ =	shalt  }
0x73: {  	_ =	shalt  }
0x74: {  	_ =	shalt  }
0x75: {  	_ =	shalt  }
0x76: {  	_ =	shalt  }
0x77: {  	_ =	shalt  }
0x78: {  	_ =	shalt  }
0x79: {  	_ =	shalt  }
0x7a: {  	_ =	shalt  }
0x7b: {  	_ =	shalt  }
0x7c: {  	_ =	shalt  }
0x7d: {  	_ =	shalt  }
0x7e: {  	_ =	shalt  }
0x7f: {  	_ =	shalt  }
0x80: {  	_ =	shalt  }
0x81: {  	_ =	shalt  }
0x82: {  	_ =	shalt  }
0x83: {  	_ =	shalt  }
0x84: {  	_ =	shalt  }
0x85: {  	_ =	shalt  }
0x86: {  	_ =	shalt  }
0x87: {  	_ =	shalt  }
.Lfunc_end0:
.L_simem_size_0:
called_computation_lowered:
.L_overlay_start_0:
0x88: {  	s0 =	sld [smem:$0x3FD9]  }
0x89: {  	s1 =	sld [smem:$0x3FFE];
	_ =	sdelay $0x3  }
0x8a: {  	s0 =	sadd.s32 s1, s0  }
0x8b: {  	[smem:$0x3FC1] =	sst s0  }
0x8c: {  	_ = 	snop  }
0x8d: {  	s0 =	sld [smem:$0x3FD0];
	(tm) =	ssettm $0x1  }
0x8e: {  	s16 =	sld [smem:$0x3FFB];
	_ =	sdelay $0x3  }
0x8f: {  	_ =	strace s16  }
0x90: {  	s1 =	sld [smem:$0x3FFC];
	_ =	sdelay $0x3  }
0x91: {  	_ =	strace s1  }
0x92: {  	s1 =	sld [smem:$0x3FFD];
	_ =	sdelay $0x3  }
0x93: {  	_ =	strace s1  }
0x94: {  	_ =	strace $0x8FFFFFFF  }
0x95: {  	s17 =	sld [smem:$0x3FDB];
	_ =	sdelay $0x1  }
0x96: {  	s2 =	simm.s32 $_scs_section_size  }
0x97: {  	s3 =	simm.s32 $_size__tile_overlayer_lowered;
	s4 =	simm.s32 $_tile_overlayer_lowered  }
0x98: {  	s20 =	simm.s32 $0x1BFF;
	s19 =	sshll.u32 s4, $0x1;
	s1 =	sadd.s32 s2, s17  }
0x99: {  	s5 =	simm.s32 $0x0;
	s18 =	sshll.u32 s3, $0x1;
	s3 =	sadd.s32 s19, s1  }
0x9a: {  	[timem:s5], [sflag:s20] =	dma.local [hbm:s3], s18  }
0x9b: {  	_ =	swait.ge [sflag:s20], s18  }
0x9c: {  	s2 =	ssub.s32 $0x0, s18;
	[sflag:s20] =	ssyncset.done $0x0  }
0x9d: {  	[sflag:s20] =	ssyncadd.s32 s2;
	_ =	sdelay $0x1  }
0x9e: {  	s21 =	simm.s32 $0x1B8B  }
0x9f: {  	_ =	swait.ge [sflag:s21], $0x1  }
0xa0: {  	[sflag:s21] =	ssyncset.done $0x0  }
0xa1: {  	s23 =	simm.s32 $0x1B8E;
	s22 =	sld [smem:$0x3FFE];
	[sflag:s21] =	ssyncadd.s32 $0xFFFFFFFF  }
0xa2: {  	s24 =	simm.s32 $execute0_lowered;
	[smem:$0x3FD2] =	sst s23  }
0xa3: {  	s3 =	sshll.u32 s24, $0x1;
	_ =	strace $0x80000046;
	[dreg:$0x1] =	wrdreg $0xFFFFFFFF  }
0xa4: {  	s25 =	simm.s32 $_size_execute0_lowered;
	s1 =	sadd.s32 s1, s3;
	[dreg:$0x0] =	wrdreg $0x0  }
0xa5: {  	s3 =	sshll.u32 s25, $0x1;
	[dreg:$0x2] =	wrdreg s1  }
0xa6: {  	[dreg:$0x3] =	wrdreg s3  }
0xa7: {  	[dreg:$0x4] =	wrdreg $0xC0  }
0xa8: {  	_ =	task [dreg:s5], $0x5FFFF  }
0xa9: {  	[dreg:$0x1] =	wrdreg $0xFFFFFFFF  }
0xaa: {  	[dreg:$0x0] =	wrdreg $0x60  }
0xab: {  	[dreg:$0x2] =	wrdreg s22  }
0xac: {  	[dreg:$0x3] =	wrdreg s0  }
0xad: {  	[dreg:$0x4] =	wrdreg $0x2B000  }
0xae: {  	[dreg:$0x5] =	wrdreg $0x9  }
0xaf: {  	_ =	task.clear_ibuf [dreg:s5], $0x6FFFF;
	_ =	strace $0x90000046  }
0xb0: {  	s26 =	simm.s32 $0x9;
	_ =	strace $0x80000048  }
0xb1: {  	_ =	swait.ge [sflag:s26], $0x1  }
0xb2: {  	[sflag:s26] =	ssyncadd.s32 $0xFFFFFFFF  }
0xb3: {  	_ =	strace $0x90000048  }
0xb4: {  	_ =	sfence  }
0xb5: {  	s28 =	sld [smem:$0x0];
	_ =	sdelay $0x1  }
0xb6: {  	s29 =	srdreg.scid  }
0xb7: {  	s30 =	sshll.u32 s29, $0xD;
	s31 =	sshrl.u32 s29, $0x2  }
0xb8: {  	s2 =	sand.u32 $0x4000, s30;
	s1 =	sand.u32 $0x1, s29;
	s0 =	sadd.s32 s31, s28  }
0xb9: {  	s1 =	sor.u32 s2, s1;
	s0 =	sshll.u32 s0, $0x11  }
0xba: {  	s0 =	sor.u32 s0, s1  }
0xbb: {  	s0 =	sadd.s32 $0x8F2B, s0  }
0xbc: {  	[sflag:s0] =	ssyncadd.remote.s32 $0x1  }
0xbd: {  	_ =	sfence.sel $0xFFFF  }
0xbe: {  	[dreg:$0x0] =	wrdreg $0xFFFFFFFF;
	(pc) =	sbr.abs _section_cstart, $3  }
0xbf: {  	[dreg:$0x1] =	wrdreg $0xFFFFFFFF  }
0xc0: {  	_ =	task.clear_ibuf [dreg:s5], $0x2FFFF;
	_ =	strace $0x9FFFFFFF  }
0xc1: {  	(tm) =	ssettm $0x7FFFFFFF  }
tec
execute0_lowered:
.L_overlay_start_1:
0x0: {  	(tag) =	ssettag $0x1  }
0x1: {  	s6 =	rddreg [dreg:$0x0];
	s5 =	stileid.u32  }
0x2: {  	s1 =	rddreg [dreg:$0x1];
	s2 =	smul.u32 $0x510, s5  }
0x3: {  	s3 =	rddreg [dreg:$0x2]  }
0x4: {  	s0 =	rddreg [dreg:$0x3];
	s4 =	simm.s32 $0x0;
	s7 =	sshrl.u32 s2, $0x3  }
0x5: {  	[smem:$0x7FF] =	sst s4;
	s6 =	sadd.s32 s7, s6  }
0x6: {  	s25 =	simm.s32 $0x1;
	_ =	strace $0x80000047;
	s7 =	sadd.s32 $0x1400, s6  }
0x7: {  	[tilespmem:s4], [sflag:$0x1] =	stream.linear.gather [hbm4b:s7+s4], $0x510, $0x38;
	[tilespmem:$0x2B40] =	vst v63  }
0x8: {  	_ =	swait.ge [sflag:s25], $0x510  }
0x9: {  	[sflag:s25] =	ssyncset.done $0x0  }
0xa: {  	s9 =	simm.s32 $0x580;
	s8 =	sadd.s32 $0x1E20, s6;
	[sflag:s25] =	ssyncadd.s32 $0xFFFFFAF0  }
0xb: {  	[tilespmem:s9], [sflag:$0x1] =	stream.linear.gather [hbm4b:s8+s4], $0x510, $0x38;
	[tilespmem:$0x2B40] =	vst v63  }
0xc: {  	_ =	swait.ge [sflag:s25], $0x510  }
0xd: {  	[sflag:s25] =	ssyncset.done $0x0  }
0xe: {  	s28 =	simm.s32 $0xB00;
	s26 =	sadd.s32 $0x2840, s6;
	[sflag:s25] =	ssyncadd.s32 $0xFFFFFAF0  }
0xf: {  	[tilespmem:s28], [sflag:$0x1] =	stream.linear.gather [hbm4b:s26+s4], $0x510, $0x38;
	[tilespmem:$0x2B40] =	vst v63  }
0x10: {  	_ =	swait.ge [sflag:s25], $0x510  }
0x11: {  	[sflag:s25] =	ssyncset.done $0x0  }
0x12: {  	s30 =	simm.s32 $0x1080;
	s29 =	sadd.s32 $0x3260, s6;
	[sflag:s25] =	ssyncadd.s32 $0xFFFFFAF0  }
0x13: {  	[tilespmem:s30], [sflag:$0x1] =	stream.linear.gather [hbm4b:s29+s4], $0x510, $0x38;
	[tilespmem:$0x2B40] =	vst v63  }
0x14: {  	_ =	swait.ge [sflag:s25], $0x510  }
0x15: {  	[sflag:s25] =	ssyncset.done $0x0  }
0x16: {  	s31 =	simm.s32 $0x1B80;
	s6 =	sadd.s32 $0x3C80, s6;
	[sflag:s25] =	ssyncadd.s32 $0xFFFFFAF0  }
0x17: {  	[tilespmem:s31], [sflag:$0x1] =	stream.linear.gather [hbm4b:s6+s4], $0x510, $0x38;
	[tilespmem:$0x2B40] =	vst v63  }
0x18: {  	_ =	swait.ge [sflag:s25], $0x510  }
0x19: {  	p0 =	sne.s32 s5, $0x0;
	[sflag:s25] =	ssyncset.done $0x0  }
0x1a: {  	v0 =	vimm.s32 @!p0 $0xFFFFFFFF;
	[sflag:s25] =	ssyncadd.s32 $0xFFFFFAF0  }
0x1b: {  	s6 =	simm.s32 $0x0;
	[tilespmem:$0x2AA0] =	vst @!p0 v0  }
0x1c: {  	v3 =	vld [tilespmem:s6+$0x1B80]  }
0x1d: {  	v2 =	vld [tilespmem:s6+$0x0]  }
0x1e: {  	v4 =	vld [tilespmem:s6+$0x580]  }
0x1f: {  	v5 =	vld [tilespmem:s6+$0xB00]  }
0x20: {  	v6 =	vld [tilespmem:s6+$0x1080]  }
0x21: {  	s7 =	simm.s32 $0x10  }
0x22: {  	v9 =	vld [tilespmem:s7+$0x1B80]  }
0x23: {  	v7 =	vimm.f32 $-Inf;
	v10 =	vimm.s32 $0x40000000;
	v8 =	vld [tilespmem:s7+$0x0]  }
0x24: {  	v1 =	vlaneseq.u32;
	v5 =	vsub.f32 v5, v2;
	vm0 =	vgt.f32 v3, v7;
	v2 =	vld [tilespmem:s7+$0x580]  }
0x25: {  	v11 =	vor.u32 s2, v1;
	s8 =	sadd.s32 $0x10, s2;
	v4 =	vsub.f32 v6, v4;
	v3 =	vsel vm0, v3, v7;
	v7 =	vld [tilespmem:s7+$0xB00]  }
0x26: {  	v12 =	vor.u32 s8, v1;
	v0 =	vmov s2;
	v6 =	vld [tilespmem:s7+$0x1080];
	v10 =	vsel vm0, v11, v10  }
0x27: {  	s10 =	simm.s32 $0x20;
	s5 =	sshll.u32 s5, $0x7;
	v11 =	vmax.f32 v5, $0.0e+00;
	vm15 =	vgt.f32 v9, v3;
	v13 =	vmax.f32 v4, $0.0e+00  }
0x28: {  	s5 =	sadd.s32 s5, s3;
	s9 =	simm.s32 $0xC0;
	v4 =	vld [tilespmem:s10+$0x1B80];
	v5 =	vsel vm15, v9, v3;
	v3 =	vsel vm15, v12, v10;
	v9 =	vmul.f32 v13, v11  }
.LBB2_1:
0x29: {  	p1 =	sne.s32 s9, $0x1400;
	v10 =	vld [tilespmem:s10+$0x0];
	v11 =	vmov v2;
	s11 =	smov.u32 s9;
	s9 =	sadd.s32 $0x40, s9  }
.Ltmp0:
0x2a: {  	v2 =	vld [tilespmem:s10+$0x580];
	v8 =	vsub.f32 v7, v8;
	[tilespmem:s6+$0x1600] =	vst v9;
	s6 =	smov.u32 s7;
	s7 =	smov.u32 s10;
	(pc) =	sbr.rel @p1 .LBB2_1-.Ltmp0, $4  }
0x2b: {  	v7 =	vld [tilespmem:s7+$0xB00];
	v9 =	vsub.f32 v6, v11  }
0x2c: {  	s8 =	sadd.s32 $0x10, s8;
	v6 =	vld [tilespmem:s7+$0x1080];
	v12 =	vmax.f32 v8, $0.0e+00  }
0x2d: {  	s10 =	sshra.s32 s11, $0x2;
	v11 =	vor.u32 s8, v1;
	vm0 =	vgt.f32 v4, v5;
	v9 =	vmax.f32 v9, $0.0e+00  }
0x2e: {  	v5 =	vsel vm0, v4, v5;
	v4 =	vld [tilespmem:s10+$0x1B80];
	v3 =	vsel vm0, v11, v3;
	v9 =	vmul.f32 v9, v12;
	v8 =	vmovc v10  }
0x2f: {  	_ = 	snop  }
0x30: {  	v10 =	vld [tilespmem:s10+$0x0];
	s31 =	sadd.s32 $0x10, s8;
	vm1 =	vcmask $0x718;
	v7 =	vsub.f32 v7, v8  }
0x31: {  	v11 =	vld [tilespmem:s10+$0x580];
	vm2 =	vcmask $0xB18;
	vm3 =	vcmask $0xF18;
	[tilespmem:s6+$0x1600] =	vst v9;
	v1 =	vor.u32 s31, v1  }
0x32: {  	v2 =	vsub.f32 v6, v2;
	v6 =	vld [tilespmem:s10+$0xB00];
	v9 =	vmax.f32 v7, $0.0e+00;
	v7 =	vimm.s32 $0xEFCDAB89  }
0x33: {  	v8 =	vimm.s32 $0x67452301;
	v12 =	vld [tilespmem:s10+$0x1080];
	vm0 =	vgt.f32 v4, v5;
	v13 =	vunpack.c.l.s4.s8 v7  }
0x34: {  	v2 =	vmax.f32 v2, $0.0e+00;
	v7 =	vsel vm0, v4, v5;
	v4 =	vunpack.c.l.s4.s8 v8  }
0x35: {  	v8 =	vsel vm0, v1, v3;
	v3 =	vimm.s32 $0xDCFE98BA;
	v5 =	vimm.s32 $0x54761032  }
0x36: {  	v9 =	vmul.f32 v2, v9;
	v1 =	vunpack.c.0.s8.s32 v13;
	v5 =	vunpack.c.l.s4.s8 v5  }
0x37: {  	v4 =	vunpack.c.0.s8.s32 v4;
	v2 =	vsub.f32 v6, v10;
	v10 =	vimm.s32 $0x32107654  }
0x38: {  	v3 =	vunpack.c.l.s4.s8 v3;
	v6 =	vsub.f32 v12, v11;
	v10 =	vunpack.c.l.s4.s8 v10  }
0x39: {  	v1 =	vcombine.low v4, v1;
	v4 =	vunpack.c.0.s8.s32 v5;
	v5 =	vimm.s32 $0xBA98FEDC  }
0x3a: {  	v11 =	vimm.s32 $0xFEDCBA98;
	v3 =	vunpack.c.0.s8.s32 v3;
	v5 =	vunpack.c.l.s4.s8 v5  }
0x3b: {  	vm4 =	vcmask $0x1318;
	v11 =	vunpack.c.l.s4.s8 v11;
	v10 =	vunpack.c.0.s8.s32 v10  }
0x3c: {  	v3 =	vcombine.low v4, v3;
	v4 =	vimm.s32 $0x76543210;
	v5 =	vunpack.c.0.s8.s32 v5  }
0x3d: {  	vm0 =	vcmask $0x318;
	v2 =	vmax.f32 v2, $0.0e+00;
	v4 =	vunpack.c.l.s4.s8 v4  }
0x3e: {  	v6 =	vmax.f32 v6, $0.0e+00;
	v11 =	vunpack.c.0.s8.s32 v11;
	v5 =	vcombine.low v10, v5  }
0x3f: {  	s8 =	simm.s32 $0xB00;
	v6 =	vmul.f32 v6, v2;
	v2 =	vand.u32 $0xF, v3;
	v4 =	vunpack.c.0.s8.s32 v4  }
0x40: {  	s9 =	simm.s32 $0x1080;
	s11 =	simm.s32 $0x1;
	s12 =	simm.s32 $0x2180;
	[tilespmem:s7+$0x1600] =	vst v9;
	v10 =	vand.u32 $0xF, v11;
	v3 =	vand.u32 $0xF, v5;
	v5 =	vlaneseq.u32  }
0x41: {  	s6 =	simm.s32 $0x0;
	s7 =	simm.s32 $0x580;
	v1 =	vand.u32 $0xF, v1;
	[tilespmem:s10+$0x1600] =	vst v6;
	s10 =	simm.s32 $0x2100;
	v4 =	vcombine.low v10, v4;
	v6 =	vmul.u32 $0x80, v5  }
.LBB2_3:
0x42: {  	v9 =	vperm.xlane v7, v1;
	_ =	sdelay $0x1  }
0x43: {  	v9 =	vmax.f32 v7, v9  }
0x44: {  	v10 =	vperm.xlane v9, v2;
	_ =	sdelay $0x1  }
0x45: {  	v9 =	vmax.f32 v9, v10  }
0x46: {  	v10 =	vperm.xlane v9, v3;
	_ =	sdelay $0x1  }
0x47: {  	v9 =	vmax.f32 v9, v10  }
0x48: {  	v10 =	vperm.xlane v9, v4;
	_ =	sdelay $0x1  }
0x49: {  	v9 =	vmax.f32 v9, v10  }
0x4a: {  	vm5 =	veq.f32 v7, v9  }
0x4b: {  	v7 =	vnsel vm5, $0x40000000, v8  }
0x4c: {  	v8 =	vperm.xlane v7, v1;
	_ =	sdelay $0x1  }
0x4d: {  	vm5 =	vlt.s32 v7, v8  }
0x4e: {  	v7 =	vsel vm5, v7, v8  }
0x4f: {  	v8 =	vperm.xlane v7, v2;
	_ =	sdelay $0x1  }
0x50: {  	vm5 =	vlt.s32 v7, v8  }
0x51: {  	v7 =	vsel vm5, v7, v8  }
0x52: {  	v8 =	vperm.xlane v7, v3;
	_ =	sdelay $0x1  }
0x53: {  	vm5 =	vlt.s32 v7, v8  }
0x54: {  	v7 =	vsel vm5, v7, v8  }
0x55: {  	v8 =	vperm.xlane v7, v4;
	_ =	sdelay $0x1  }
0x56: {  	vm5 =	vlt.s32 v7, v8  }
0x57: {  	v7 =	vsel vm5, v7, v8  }
0x58: {  	v8 =	vsub.s32 v7, v0  }
0x59: {  	vm5 =	vgt.s32 v8, $0x0  }
0x5a: {  	v8 =	vnsel vm5, $0x0, v8  }
0x5b: {  	v8 =	vmin.u32 v8, $0x50F;
	_ =	sdelay $0x4  }
0x5c: {  	v10 =	vld.idx.msk [tilespmem:v8+s6+$0x0], $0xffff  }
0x5d: {  	v11 =	vld.idx.msk [tilespmem:v8+s7+$0x0], $0xffff  }
0x5e: {  	v12 =	vld.idx.msk [tilespmem:v8+s8+$0x0], $0xffff  }
0x5f: {  	v8 =	vld.idx.msk [tilespmem:v8+s9+$0x0], $0xffff  }
0x60: {  	v7 =	vsel vm0, v9, v7  }
0x61: {  	v7 =	vsel vm1, v7, v10  }
0x62: {  	v7 =	vsel vm2, v7, v11  }
0x63: {  	s13 =	sshll.u32 s4, $0xC;
	v7 =	vsel vm3, v7, v12  }
0x64: {  	s13 =	sand.u32 $0x1000, s13;
	v7 =	vsel vm4, v7, v8  }
0x65: {  	s14 =	sadd.s32 s13, s5;
	[tilespmem:$0x2100] =	vst v7  }
0x66: {  	[spmem:s14] =	stream.linear.scatter [tilespmem:s10], [sflag:$0x1], $0x80, $0x38;
	[tilespmem:$0x2B40] =	vst v63  }
0x67: {  	_ =	swait.ge [sflag:s11], $0x80  }
0x68: {  	[sflag:s11] =	ssyncset.done $0x0  }
0x69: {  	s14 =	sadd.s32 $0x800, s14;
	[sflag:s11] =	ssyncadd.s32 $0xFFFFFF80  }
0x6a: {  	[spmem:s14] =	stream.linear.scatter [tilespmem:s10], [sflag:$0x1], $0x80, $0x38;
	[tilespmem:$0x2B40] =	vst v63  }
0x6b: {  	_ =	swait.ge [sflag:s11], $0x80  }
0x6c: {  	[sflag:s11] =	ssyncset.done $0x0  }
0x6d: {  	s13 =	sadd.s32 s13, s3;
	[sflag:s11] =	ssyncadd.s32 $0xFFFFFF80  }
0x6e: {  	s13 =	sadd.s32 $0x800, s13;
	[bflag:$0x0] =	sbarrier.arrive $0xFFFF  }
0x6f: {  	[tilespmem:s12], [sflag:$0x1] =	stream.linear.gather [spmem:s13], $0x800, $0x38;
	[tilespmem:$0x2B40] =	vst v63  }
0x70: {  	_ =	swait.ge [sflag:s11], $0x800  }
0x71: {  	[sflag:s11] =	ssyncset.done $0x0  }
0x72: {  	[sflag:s11] =	ssyncadd.s32 $0xFFFFF800  }
0x73: {  	v7 =	vld.idx.msk [tilespmem:v6+s12+$0x0], $0xffff;
	_ =	sdelay $0x4  }
0x74: {  	v8 =	vperm.xlane v7, v1;
	_ =	sdelay $0x1  }
0x75: {  	v8 =	vmax.f32 v7, v8  }
0x76: {  	v9 =	vperm.xlane v8, v2;
	_ =	sdelay $0x1  }
0x77: {  	v8 =	vmax.f32 v8, v9  }
0x78: {  	v9 =	vperm.xlane v8, v3;
	_ =	sdelay $0x1  }
0x79: {  	v8 =	vmax.f32 v8, v9  }
0x7a: {  	v9 =	vperm.xlane v8, v4;
	_ =	sdelay $0x1  }
0x7b: {  	v14 =	vmax.f32 v8, v9  }
0x7c: {  	vm5 =	veq.f32 v7, v14  }
0x7d: {  	v7 =	vnsel vm5, $0x40000000, v5  }
0x7e: {  	v8 =	vperm.xlane v7, v1;
	_ =	sdelay $0x1  }
0x7f: {  	vm5 =	vlt.s32 v7, v8  }
0x80: {  	v7 =	vsel vm5, v7, v8  }
0x81: {  	v8 =	vperm.xlane v7, v2;
	_ =	sdelay $0x1  }
0x82: {  	vm5 =	vlt.s32 v7, v8  }
0x83: {  	v7 =	vsel vm5, v7, v8  }
0x84: {  	v8 =	vperm.xlane v7, v3;
	_ =	sdelay $0x1  }
0x85: {  	vm5 =	vlt.s32 v7, v8  }
0x86: {  	v7 =	vsel vm5, v7, v8  }
0x87: {  	v8 =	vperm.xlane v7, v4;
	_ =	sdelay $0x1  }
0x88: {  	vm5 =	vlt.s32 v7, v8  }
0x89: {  	v7 =	vsel vm5, v7, v8  }
0x8a: {  	v8 =	vshll.u32 v7, $0x7  }
0x8b: {  	v7 =	vor.u32 $0x1, v8;
	_ =	sdelay $0x2  }
0x8c: {  	v10 =	vor.u32 $0x3, v8  }
0x8d: {  	v11 =	vor.u32 $0x4, v8  }
0x8e: {  	v12 =	vor.u32 $0x5, v8;
	v7 =	vld.idx.msk [tilespmem:v7+s12+$0x0], $0xffff  }
0x8f: {  	v13 =	vmov @!p0 s4;
	v9 =	vor.u32 $0x2, v8;
	_ =	sdelay $0x1  }
0x90: {  	vm6 =	vgt.f32 @!p0 v14, $-Inf;
	vm5 =	vlt.f32 @!p0 v14, $-Inf;
	v8 =	vld.idx.msk [tilespmem:v10+s12+$0x0], $0xffff  }
0x91: {  	vm5 =	vmor @!p0 vm6, vm5;
	v10 =	vld.idx.msk [tilespmem:v11+s12+$0x0], $0xffff  }
0x92: {  	s13 =	simm.s32 @!p0 $0x2980;
	v11 =	vld.idx.msk [tilespmem:v12+s12+$0x0], $0xffff;
	v12 =	vnsel @!p0 vm5, $0xFFFFFFFF, v7  }
0x93: {  	s17 =	simm.s32 $0x0;
	v9 =	vld.idx.msk [tilespmem:v9+s12+$0x0], $0xffff;
	[tilespmem:v13+s13+$0x0] =	vst.idx.msk @!p0 $0x1, v12  }
0x94: {  	v12 =	vld [tilespmem:s17+$0x0]  }
0x95: {  	v13 =	vld [tilespmem:s17+$0x580]  }
0x96: {  	v15 =	vld [tilespmem:s17+$0xB00]  }
0x97: {  	v16 =	vld [tilespmem:s17+$0x1080];
	_ =	sdelay $0x1  }
0x98: {  	v17 =	vsub.f32 v10, v9;
	_ =	sdelay $0x1  }
0x99: {  	s14 =	simm.s32 $0x10;
	v18 =	vsub.f32 v11, v8;
	v17 =	vmax.f32 v17, $0.0e+00;
	v19 =	vld [tilespmem:s17+$0x1600];
	v12 =	vmax.f32 v9, v12  }
0x9a: {  	v20 =	vld [tilespmem:s14+$0x0];
	v13 =	vmax.f32 v8, v13;
	v15 =	vmin.f32 v10, v15;
	v16 =	vmin.f32 v11, v16  }
0x9b: {  	v18 =	vmax.f32 v18, $0.0e+00;
	v21 =	vld [tilespmem:s14+$0x580];
	v15 =	vsub.f32 v15, v12;
	v13 =	vsub.f32 v16, v13  }
0x9c: {  	v12 =	vmul.f32 v18, v17;
	v16 =	vld [tilespmem:s14+$0xB00]  }
0x9d: {  	v17 =	vld [tilespmem:s14+$0x1080];
	v15 =	vmax.f32 v15, $0.0e+00;
	v13 =	vmax.f32 v13, $0.0e+00  }
0x9e: {  	v18 =	vadd.f32 v19, v12;
	v15 =	vmul.f32 v13, v15;
	_ =	sdelay $0x1  }
0x9f: {  	v19 =	vsub.f32 v18, v15  }
0xa0: {  	s13 =	simm.s32 $0x20;
	v13 =	vld [tilespmem:s14+$0x1600];
	v18 =	vmax.f32 v9, v20;
	v20 =	vmax.f32 v8, v21  }
0xa1: {  	v22 =	vld [tilespmem:s13+$0x580];
	v16 =	vmin.f32 v10, v16;
	v17 =	vmin.f32 v11, v17;
	(erf) = vrcp.f32 v19  }
0xa2: {  	v21 =	vld [tilespmem:s13+$0x0];
	v16 =	vsub.f32 v16, v18;
	v17 =	vsub.f32 v17, v20  }
0xa3: {  	v18 =	vld [tilespmem:s13+$0xB00]  }
0xa4: {  	v20 =	vld [tilespmem:s13+$0x1080];
	v16 =	vmax.f32 v16, $0.0e+00;
	v17 =	vmax.f32 v17, $0.0e+00  }
0xa5: {  	s15 =	simm.s32 $0x30;
	v23 =	vadd.f32 v13, v12;
	v17 =	vmul.f32 v17, v16  }
0xa6: {  	v25 =	vld [tilespmem:s15+$0x580]  }
0xa7: {  	v21 =	vmax.f32 v9, v21;
	v16 =	vsub.f32 v23, v17  }
0xa8: {  	vm6 =	vgt.f32 v14, $-Inf;
	vm5 =	vlt.f32 v14, $-Inf;
	v24 =	vld [tilespmem:s13+$0x1600];
	v22 =	vmax.f32 v8, v22  }
0xa9: {  	v26 =	vld [tilespmem:s15+$0xB00];
	v18 =	vmin.f32 v10, v18;
	v20 =	vmin.f32 v11, v20;
	(erf) = vrcp.f32 v16  }
0xaa: {  	v14 =	vor.u32 s2, v5;
	v27 =	vld [tilespmem:s15+$0x1080];
	v18 =	vsub.f32 v18, v21;
	v20 =	vsub.f32 v20, v22;
	v21 =	vpop (erf)  }
0xab: {  	vm5 =	vmor vm6, vm5;
	v28 =	vld [tilespmem:s17+$0x1B80];
	v30 =	vmax.f32 v8, v25;
	v15 =	vmul.f32 v21, v15  }
0xac: {  	vm6 =	vgt.f32 v19, $0.0e+00;
	v23 =	vld [tilespmem:s15+$0x0];
	v18 =	vmax.f32 v18, $0.0e+00;
	v20 =	vmax.f32 v20, $0.0e+00  }
0xad: {  	v18 =	vmul.f32 v20, v18;
	v21 =	vadd.f32 v24, v12;
	vm7 =	vgt.f32 v15, $6.999999880e-01  }
0xae: {  	v25 =	vmin.f32 v10, v26;
	vm6 =	vmand vm6, vm7;
	vm7 =	veq.s32 v14, v7  }
0xaf: {  	s16 =	simm.s32 $0x40;
	v26 =	vmin.f32 v11, v27;
	v24 =	vld [tilespmem:s15+$0x1600];
	v19 =	vsub.f32 v21, v18;
	vm6 =	vmor vm7, vm6  }
0xb0: {  	v26 =	vsub.f32 v26, v30;
	v13 =	vimm.f32 $-Inf;
	v22 =	vld [tilespmem:s16+$0x580];
	vm6 =	vmand vm5, vm6  }
0xb1: {  	v29 =	vmax.f32 v9, v23;
	v23 =	vld [tilespmem:s16+$0xB00];
	(erf) = vrcp.f32 v19;
	v20 =	vsel vm6, $0xFF800000, v28  }
0xb2: {  	s18 =	simm.s32 $0x140;
	v25 =	vsub.f32 v25, v29;
	v15 =	vimm.s32 $0x40000000;
	v21 =	vld [tilespmem:s16+$0x0];
	v27 =	vpop (erf);
	[tilespmem:s17+$0x1B80] =	vst v20;
	vm6 =	vgt.f32 v20, v13;
	s17 =	sadd.s32 $0x10, s2  }
.LBB2_4:
0xb3: {  	p1 =	sne.s32 s18, $0x1400;
	v28 =	vld [tilespmem:s16+$0x1080];
	v29 =	vor.u32 s17, v5;
	v27 =	vmul.f32 v27, v17;
	v13 =	vsel vm6, v20, v13;
	v17 =	vmovc v18;
	s19 =	smov.u32 s13;
	s13 =	smov.u32 s15  }
0xb4: {  	s15 =	smov.u32 s16;
	v18 =	vmax.f32 v25, $0.0e+00;
	v20 =	vmax.f32 v26, $0.0e+00;
	v25 =	vadd.f32 v24, v12;
	v26 =	vld [tilespmem:s14+$0x1B80]  }
0xb5: {  	vm7 =	vgt.f32 v16, $0.0e+00;
	v16 =	vmovc v19;
	v18 =	vmul.f32 v20, v18;
	vm8 =	vgt.f32 v27, $6.999999880e-01  }
.Ltmp1:
0xb6: {  	v15 =	vsel vm6, v14, v15;
	v14 =	vmovc v29;
	vm7 =	vmand vm7, vm8;
	vm8 =	veq.s32 v29, v7;
	(pc) =	sbr.rel @p1 .LBB2_4-.Ltmp1, $4  }
0xb7: {  	s16 =	sshra.s32 s18, $0x2;
	v27 =	vmax.f32 v9, v21;
	v24 =	vld [tilespmem:s15+$0x1600];
	v19 =	vsub.f32 v25, v18;
	vm6 =	vmor vm8, vm7  }
0xb8: {  	v29 =	vmax.f32 v8, v22;
	v25 =	vmin.f32 v10, v23;
	v21 =	vld [tilespmem:s16+$0x0];
	vm6 =	vmand vm5, vm6  }
0xb9: {  	v28 =	vmin.f32 v11, v28;
	v22 =	vld [tilespmem:s16+$0x580];
	(erf) = vrcp.f32 v19;
	v20 =	vsel vm6, $0xFF800000, v26  }
0xba: {  	s18 =	sadd.s32 $0x40, s18;
	s17 =	sadd.s32 $0x10, s17;
	v25 =	vsub.f32 v25, v27;
	v26 =	vsub.f32 v28, v29;
	v23 =	vld [tilespmem:s16+$0xB00];
	v27 =	vpop (erf);
	[tilespmem:s14+$0x1B80] =	vst v20;
	vm6 =	vgt.f32 v20, v13;
	s14 =	smov.u32 s19  }
0xbb: {  	v28 =	vld [tilespmem:s16+$0x1080];
	v29 =	vor.u32 s17, v5  }
0xbc: {  	v17 =	vmul.f32 v27, v17;
	v25 =	vmax.f32 v25, $0.0e+00;
	v26 =	vmax.f32 v26, $0.0e+00  }
0xbd: {  	vm7 =	vgt.f32 v16, $0.0e+00;
	v24 =	vadd.f32 v24, v12;
	v25 =	vmul.f32 v26, v25  }
0xbe: {  	v51 =	vld [tilespmem:s14+$0x1B80];
	vm13 =	veq.s32 v29, v7;
	vm8 =	vgt.f32 v17, $6.999999880e-01;
	v9 =	vmax.f32 v9, v21  }
0xbf: {  	v52 =	vld [tilespmem:s16+$0x1600];
	vm7 =	vmand vm7, vm8;
	v8 =	vmax.f32 v8, v22;
	v53 =	vsub.f32 v24, v25  }
0xc0: {  	vm7 =	vmor vm13, vm7;
	v10 =	vmin.f32 v10, v23;
	v11 =	vmin.f32 v11, v28  }
0xc1: {  	v9 =	vsub.f32 v10, v9;
	(erf) = vrcp.f32 v53;
	v8 =	vsub.f32 v11, v8  }
0xc2: {  	vm7 =	vmand vm5, vm7  }
0xc3: {  	v10 =	vsel vm7, $0xFF800000, v51;
	v9 =	vmax.f32 v9, $0.0e+00;
	v11 =	vpop (erf);
	v8 =	vmax.f32 v8, $0.0e+00  }
0xc4: {  	v54 =	vadd.f32 v52, v12;
	[tilespmem:s14+$0x1B80] =	vst v10;
	v11 =	vmul.f32 v11, v18;
	v8 =	vmul.f32 v8, v9  }
0xc5: {  	s30 =	sadd.s32 $0x10, s17;
	vm7 =	vgt.f32 v19, $0.0e+00;
	v55 =	vld [tilespmem:s13+$0x1B80]  }
0xc6: {  	v9 =	vor.u32 s30, v5;
	vm14 =	vgt.f32 v11, $6.999999880e-01;
	v11 =	vsub.f32 v54, v8  }
0xc7: {  	vm15 =	veq.s32 v9, v7;
	vm7 =	vmand vm7, vm14  }
0xc8: {  	vm7 =	vmor vm15, vm7;
	(erf) = vrcp.f32 v11  }
0xc9: {  	vm7 =	vmand vm5, vm7  }
0xca: {  	v56 =	vsel vm7, $0xFF800000, v55;
	v57 =	vpop (erf)  }
0xcb: {  	[tilespmem:s13+$0x1B80] =	vst v56;
	v16 =	vmul.f32 v57, v25  }
0xcc: {  	s31 =	sadd.s32 $0x10, s30;
	v58 =	vld [tilespmem:s15+$0x1B80]  }
0xcd: {  	v59 =	vor.u32 s31, v5;
	vm7 =	vgt.f32 v53, $0.0e+00;
	vm12 =	vgt.f32 v16, $6.999999880e-01  }
0xce: {  	vm13 =	veq.s32 v59, v7;
	vm7 =	vmand vm7, vm12  }
0xcf: {  	vm7 =	vmor vm13, vm7  }
0xd0: {  	vm7 =	vmand vm5, vm7  }
0xd1: {  	v60 =	vsel vm7, $0xFF800000, v58;
	v61 =	vpop (erf)  }
0xd2: {  	v13 =	vsel vm6, v20, v13;
	[tilespmem:s15+$0x1B80] =	vst v60;
	v8 =	vmul.f32 v61, v8  }
0xd3: {  	vm14 =	vgt.f32 v11, $0.0e+00;
	s13 =	sadd.s32 $0x10, s31;
	vm7 =	vgt.f32 v10, v13;
	v62 =	vld [tilespmem:s16+$0x1B80]  }
0xd4: {  	s4 =	sadd.s32 $0x1, s4;
	v63 =	vor.u32 s13, v5;
	v10 =	vsel vm7, v10, v13;
	vm9 =	vgt.f32 v8, $6.999999880e-01  }
0xd5: {  	p1 =	sne.s32 s4, $0x12C;
	vm15 =	veq.s32 v63, v7;
	vm10 =	vgt.f32 v56, v10;
	vm8 =	vmand vm14, vm9  }
.Ltmp2:
0xd6: {  	v7 =	vsel vm6, v14, v15;
	v8 =	vsel vm10, v56, v10;
	vm6 =	vmor vm15, vm8;
	(pc) =	sbr.rel @p1 .LBB2_3-.Ltmp2, $4  }
0xd7: {  	v7 =	vsel vm7, v29, v7;
	vm7 =	vgt.f32 v60, v8;
	vm5 =	vmand vm5, vm6  }
0xd8: {  	v7 =	vsel vm10, v9, v7;
	v8 =	vsel vm7, v60, v8;
	v9 =	vsel vm5, $0xFF800000, v62  }
0xd9: {  	v10 =	vsel vm7, v59, v7;
	vm5 =	vgt.f32 v9, v8  }
0xda: {  	[tilespmem:s16+$0x1B80] =	vst v9;
	v7 =	vsel vm5, v9, v8;
	v8 =	vsel vm5, v63, v10  }
0xdb: {  	_ =	sfence.sel @p0 $0x180000  }
0xdc: {  	[bflag:$0x0] =	sbarrier.arrive @p0 $0xFFFF  }
0xdd: {  	s2 =	simm.s32 @!p0 $0x0;
	_ =	strace @p0 $0x90000047  }
0xde: {  	s3 =	simm.s32 @!p0 $0x2980;
	s4 =	simm.s32 @!p0 $0x1;
	[bflag:$0x2] =	sbarrier.arrive @p0 $0xFFFF  }
0xdf: {  	[hbm4b:s1+s2] =	stream.linear.scatter @!p0 [tilespmem:s3], [sflag:$0x1], $0x180, $0x38;
	[tilespmem:$0x2B40] =	vst v63  }
0xe0: {  	_ =	swait.ge @!p0 [sflag:s4], $0x180  }
0xe1: {  	[sflag:s4] =	ssyncset.done @!p0 $0x0  }
0xe2: {  	[sflag:s4] =	ssyncadd.s32 @!p0 $0xFFFFFE80  }
0xe3: {  	[hbm4b:s1+s2] =	stream.linear.scatter @!p0 [tilespmem:s3], [sflag:$0x1], $0x180, $0x38;
	[tilespmem:$0x2B40] =	vst v63  }
0xe4: {  	_ =	swait.ge @!p0 [sflag:s4], $0x180  }
0xe5: {  	[sflag:s4] =	ssyncset.done @!p0 $0x0  }
0xe6: {  	[sflag:s4] =	ssyncadd.s32 @!p0 $0xFFFFFE80  }
0xe7: {  	_ =	sfence.sel @!p0 $0x180000  }
0xe8: {  	[bflag:$0x0] =	sbarrier.arrive @!p0 $0xFFFF  }
0xe9: {  	_ =	strace @!p0 $0x90000047  }
0xea: {  	s0 =	sadd.s32 @!p0 $0x100000, s0;
	[bflag:$0x2] =	sbarrier.arrive @!p0 $0xFFFF  }
0xeb: {  	[sflag:s0] =	ssyncadd.tile.s32 @!p0 $0x1;
	_ =	shalt  }
.Lfunc_end2:
_tile_overlayer_lowered:
.L_overlay_start_2:
0xec: {  	(tag) =	ssettag $0x2  }
0xed: {  	s0 =	rddreg [dreg:$0x0];
	s2 =	stileid.u32  }
0xee: {  	s1 =	rddreg [dreg:$0x1];
	p0 =	sne.s32 s2, $0x0  }
0xef: {  	s3 =	rddreg [dreg:$0x2];
	[bflag:$0x3] =	sbarrier.arrive $0xFFFF;
	s2 =	simm.s32 @!p0 $0x1C01  }
0xf0: {  	[timem:s3], [sflag:s2] =	dma.local @!p0 [hbm:s0], s1  }
0xf1: {  	s0 =	simm.s32 @!p0 $0x1  }
0xf2: {  	_ =	swait.ge @!p0 [sflag:s0], s1  }
0xf3: {  	s1 =	ssub.s32 @!p0 $0x0, s1;
	[sflag:s0] =	ssyncset.done @!p0 $0x0  }
0xf4: {  	[sflag:s0] =	ssyncadd.s32 @!p0 s1  }
0xf5: {  	[bflag:$0x3] =	sbarrier.arrive $0xFFFF  }
0xf6: {  	_ =	shalt  }

</sc_bundles>
